<compile_context>
chip_gen: v7x
topology: tpu7x:2x2x1
jax: 0.10.2.dev20260603
libtpu: 0.0.44.dev20260713+nightly
codegen_flags: <defaults>
</compile_context>

<pallas_src>
import jax
import jax.numpy as jnp
import numpy as np
from jax.experimental import pallas as pl
from jax.experimental.pallas import tpu as pltpu

B, S, D, H, L, DFF, E = 1, 2048, 1024, 16, 2, 2048, 8
DH = D // H
V = 90
PAD_IDX = 2
RT = 256
NRT = S // RT
M = 256
NBUF = 6144
NT = NBUF // M
F32 = jnp.float32
BF16 = jnp.bfloat16


def _ln_in(x, g, b):
    mu = jnp.mean(x, axis=-1, keepdims=True)
    var = jnp.mean((x - mu) ** 2, axis=-1, keepdims=True)
    return (x - mu) / jnp.sqrt(var + 1e-5) * g + b



def _embed_k(tok_ref, emb_ref, pe_ref, out_ref):
    tok = tok_ref[...]
    oh = (tok == jax.lax.broadcasted_iota(jnp.int32, (RT, V), 1)).astype(F32)
    out_ref[...] = jnp.dot(oh, emb_ref[...], preferred_element_type=F32) + pe_ref[...]


def _embed(tok2d, emb, pe):
    return pl.pallas_call(
        _embed_k,
        grid=(NRT,),
        in_specs=[
            pl.BlockSpec((RT, 1), lambda i: (i, 0)),
            pl.BlockSpec((V, D), lambda i: (0, 0)),
            pl.BlockSpec((RT, D), lambda i: (i, 0)),
        ],
        out_specs=pl.BlockSpec((RT, D), lambda i: (i, 0)),
        out_shape=jax.ShapeDtypeStruct((S, D), F32),
    )(tok2d, emb, pe)



def _mm_bias_k(x_ref, w_ref, b_ref, o_ref):
    r = jnp.dot(x_ref[...].astype(BF16), w_ref[...],
                preferred_element_type=F32) + b_ref[...]
    o_ref[...] = r.astype(o_ref.dtype)


def _mm_bias(x, w, b, out_dtype=F32):
    n = w.shape[1]
    return pl.pallas_call(
        _mm_bias_k,
        grid=(NRT,),
        in_specs=[
            pl.BlockSpec((RT, D), lambda i: (i, 0)),
            pl.BlockSpec((D, n), lambda i: (0, 0)),
            pl.BlockSpec((1, n), lambda i: (0, 0)),
        ],
        out_specs=pl.BlockSpec((RT, n), lambda i: (i, 0)),
        out_shape=jax.ShapeDtypeStruct((S, n), out_dtype),
    )(x, w, b.reshape(1, n))



QB = 512


def _attn_k(tok_ref, q_ref, k_ref, v_ref, o_ref):
    k = k_ref[0]
    ve = v_ref[0]
    pad = tok_ref[...] == PAD_IDX
    for j in range(S // QB):
        q = q_ref[0, j * QB:(j + 1) * QB, :]
        s = jax.lax.dot_general(q, k, (((1,), (1,)), ((), ())),
                                preferred_element_type=F32) * (1.0 / 8.0)
        s = jnp.where(pad, -1e9, s)
        m = jnp.max(s, axis=-1, keepdims=True)
        p = jnp.exp(s - m).astype(BF16)
        oe = jnp.dot(p, ve, preferred_element_type=F32)
        o_ref[0, j * QB:(j + 1) * QB, :] = (
            oe[:, :DH] * (1.0 / oe[:, DH:DH + 1]))


def _attention(tok_row, q, k, ve):
    return pl.pallas_call(
        _attn_k,
        grid=(H,),
        in_specs=[
            pl.BlockSpec((1, S), lambda h: (0, 0)),
            pl.BlockSpec((1, S, DH), lambda h: (h, 0, 0)),
            pl.BlockSpec((1, S, DH), lambda h: (h, 0, 0)),
            pl.BlockSpec((1, S, 2 * DH), lambda h: (h, 0, 0)),
        ],
        out_specs=pl.BlockSpec((1, S, DH), lambda h: (h, 0, 0)),
        out_shape=jax.ShapeDtypeStruct((H, S, DH), F32),
    )(tok_row, q, k, ve)



def _proj_router_k(o_ref, x_ref, w_ref, b_ref, g_ref, bn_ref, wr_ref, br_ref,
                   h_ref, rl_ref, tv_ref, ti_ref, pos_ref, ent_ref, runc_ref,
                   carry):
    t = jnp.dot(o_ref[...].astype(BF16), w_ref[...], preferred_element_type=F32)
    h = _ln_in(t + b_ref[...] + x_ref[...], g_ref[...], bn_ref[...])
    h_ref[...] = h
    rl = jnp.dot(h, wr_ref[...], preferred_element_type=F32) + br_ref[...]
    rl_ref[...] = rl
    mx = jnp.max(rl, axis=-1, keepdims=True)
    ex = jnp.exp(rl - mx)
    probs = ex / jnp.sum(ex, axis=-1, keepdims=True)
    ent = -jnp.sum(probs * jnp.log(probs + 1e-9))
    ent_ref[...] = ent.reshape(1, 1, 1)
    lane = jax.lax.broadcasted_iota(jnp.int32, (RT, E), 1)
    p1 = jnp.max(probs, axis=-1, keepdims=True)
    i1 = jnp.min(jnp.where(probs == p1, lane, E), axis=-1, keepdims=True)
    pm = jnp.where(lane == i1, -1.0, probs)
    p2 = jnp.max(pm, axis=-1, keepdims=True)
    i2 = jnp.min(jnp.where(pm == p2, lane, E), axis=-1, keepdims=True)
    dn = p1 + p2 + 1e-9
    tv_ref[...] = jnp.concatenate([p1 / dn, p2 / dn], axis=-1)
    ti_ref[...] = jnp.concatenate([i1, i2], axis=-1)

    @pl.when(pl.program_id(0) == 0)
    def _():
        carry[...] = jnp.zeros((1, E), jnp.int32)

    oh0 = (lane == i1).astype(jnp.int32)
    oh1 = (lane == i2).astype(jnp.int32)
    flags = oh0 + oh1
    c = flags
    k = 1
    while k < RT:
        sh = jnp.concatenate(
            [jnp.zeros((k, E), jnp.int32), c[:RT - k]], axis=0)
        c = c + sh
        k *= 2
    excl = c - flags + carry[...]
    pos0 = jnp.sum(excl * oh0, axis=-1, keepdims=True)
    pos1 = jnp.sum(excl * oh1, axis=-1, keepdims=True)
    pos_ref[...] = jnp.concatenate([pos0, pos1], axis=-1)
    carry[...] = carry[...] + c[RT - 1:RT, :]
    runc_ref[...] = carry[...].reshape(1, 1, E)


def _proj_router(o, x, w, b, g, bn, wr, br):
    return pl.pallas_call(
        _proj_router_k,
        grid=(NRT,),
        in_specs=[
            pl.BlockSpec((RT, D), lambda i: (i, 0)),
            pl.BlockSpec((RT, D), lambda i: (i, 0)),
            pl.BlockSpec((D, D), lambda i: (0, 0)),
            pl.BlockSpec((1, D), lambda i: (0, 0)),
            pl.BlockSpec((1, D), lambda i: (0, 0)),
            pl.BlockSpec((1, D), lambda i: (0, 0)),
            pl.BlockSpec((D, E), lambda i: (0, 0)),
            pl.BlockSpec((1, E), lambda i: (0, 0)),
        ],
        out_specs=[
            pl.BlockSpec((RT, D), lambda i: (i, 0)),
            pl.BlockSpec((RT, E), lambda i: (i, 0)),
            pl.BlockSpec((RT, 2), lambda i: (i, 0)),
            pl.BlockSpec((RT, 2), lambda i: (i, 0)),
            pl.BlockSpec((RT, 2), lambda i: (i, 0)),
            pl.BlockSpec((1, 1, 1), lambda i: (i, 0, 0)),
            pl.BlockSpec((1, 1, E), lambda i: (i, 0, 0)),
        ],
        out_shape=[
            jax.ShapeDtypeStruct((S, D), F32),
            jax.ShapeDtypeStruct((S, E), F32),
            jax.ShapeDtypeStruct((S, 2), F32),
            jax.ShapeDtypeStruct((S, 2), jnp.int32),
            jax.ShapeDtypeStruct((S, 2), jnp.int32),
            jax.ShapeDtypeStruct((NRT, 1, 1), F32),
            jax.ShapeDtypeStruct((NRT, 1, E), jnp.int32),
        ],
        scratch_shapes=[pltpu.VMEM((1, E), jnp.int32)],
    )(o, x, w, b.reshape(1, D), g.reshape(1, D), bn.reshape(1, D),
      wr, br.reshape(1, E))



def _route_metadata(ti, pos, counts):
    ru = ((counts + M - 1) // M) * M
    off = jnp.concatenate([jnp.zeros((1,), jnp.int32),
                           jnp.cumsum(ru)[:-1].astype(jnp.int32)])
    dst = off[ti] + pos
    tokid = jnp.broadcast_to(jnp.arange(S, dtype=jnp.int32)[:, None], (S, 2))
    tok_per_slot = jnp.zeros((NBUF,), jnp.int32).at[dst.reshape(-1)].set(
        tokid.reshape(-1), mode="drop")
    tile_starts = jnp.arange(NT, dtype=jnp.int32) * M
    ept = (jnp.searchsorted(off, tile_starts, side="right") - 1).astype(jnp.int32)
    return dst, tok_per_slot, ept



def _moe_k(ept_ref, x_ref, w1_ref, b1_ref, w2_ref, b2_ref, o_ref):
    hid = jnp.dot(x_ref[...], w1_ref[0], preferred_element_type=F32) + b1_ref[0]
    hid = jnp.maximum(hid, 0.0)
    o_ref[...] = jnp.dot(hid.astype(BF16), w2_ref[0],
                         preferred_element_type=F32) + b2_ref[0]


def _moe_grouped(xg, w1, b1, w2, b2, ept):
    grid_spec = pltpu.PrefetchScalarGridSpec(
        num_scalar_prefetch=1,
        grid=(NT,),
        in_specs=[
            pl.BlockSpec((M, D), lambda i, ept: (i, 0)),
            pl.BlockSpec((1, D, DFF), lambda i, ept: (ept[i], 0, 0)),
            pl.BlockSpec((1, 1, DFF), lambda i, ept: (ept[i], 0, 0)),
            pl.BlockSpec((1, DFF, D), lambda i, ept: (ept[i], 0, 0)),
            pl.BlockSpec((1, 1, D), lambda i, ept: (ept[i], 0, 0)),
        ],
        out_specs=pl.BlockSpec((M, D), lambda i, ept: (i, 0)),
    )
    return pl.pallas_call(
        _moe_k,
        grid_spec=grid_spec,
        out_shape=jax.ShapeDtypeStruct((NBUF, D), F32),
    )(ept, xg, w1, b1.reshape(E, 1, DFF), w2, b2.reshape(E, 1, D))



def _combine_k(h_ref, e0_ref, e1_ref, t0_ref, t1_ref, g_ref, b_ref, x_ref):
    moe = t0_ref[...] * e0_ref[...] + t1_ref[...] * e1_ref[...]
    x_ref[...] = _ln_in(h_ref[...] + moe, g_ref[...], b_ref[...])


def _combine(h, e0, e1, t0, t1, g, bn):
    return pl.pallas_call(
        _combine_k,
        grid=(NRT,),
        in_specs=[
            pl.BlockSpec((RT, D), lambda i: (i, 0)),
            pl.BlockSpec((RT, D), lambda i: (i, 0)),
            pl.BlockSpec((RT, D), lambda i: (i, 0)),
            pl.BlockSpec((RT, 1), lambda i: (i, 0)),
            pl.BlockSpec((RT, 1), lambda i: (i, 0)),
            pl.BlockSpec((1, D), lambda i: (0, 0)),
            pl.BlockSpec((1, D), lambda i: (0, 0)),
        ],
        out_specs=pl.BlockSpec((RT, D), lambda i: (i, 0)),
        out_shape=jax.ShapeDtypeStruct((S, D), F32),
    )(h, e0, e1, t0, t1, g.reshape(1, D), bn.reshape(1, D))



def _combine_head_k(h_ref, e0_ref, e1_ref, t0_ref, t1_ref, g_ref, b_ref,
                    wa_ref, ba_ref, gh_ref, bh_ref, wb_ref, bb_ref, tok_ref,
                    mt_ref, out_ref):
    moe = t0_ref[...] * e0_ref[...] + t1_ref[...] * e1_ref[...]
    x = _ln_in(h_ref[...] + moe, g_ref[...], b_ref[...])
    y = jnp.dot(x.astype(BF16), wa_ref[...], preferred_element_type=F32) + ba_ref[...]
    y = _ln_in(y, gh_ref[...], bh_ref[...])
    y = jnp.maximum(y, 0.0)
    lg = jnp.dot(y.astype(BF16), wb_ref[...], preferred_element_type=F32) + bb_ref[...]
    oh = (tok_ref[...] == jax.lax.broadcasted_iota(jnp.int32, (RT, V), 1)).astype(F32)
    am = jnp.dot(oh, mt_ref[...], preferred_element_type=F32)
    out_ref[...] = jnp.where(am > 0.5, lg, -60000.0)


def _combine_head(h, e0, e1, t0, t1, g, bn, wa, ba, gh, bh, wb, bb, tok2d, mt):
    D2 = D // 2
    return pl.pallas_call(
        _combine_head_k,
        grid=(NRT,),
        in_specs=[
            pl.BlockSpec((RT, D), lambda i: (i, 0)),
            pl.BlockSpec((RT, D), lambda i: (i, 0)),
            pl.BlockSpec((RT, D), lambda i: (i, 0)),
            pl.BlockSpec((RT, 1), lambda i: (i, 0)),
            pl.BlockSpec((RT, 1), lambda i: (i, 0)),
            pl.BlockSpec((1, D), lambda i: (0, 0)),
            pl.BlockSpec((1, D), lambda i: (0, 0)),
            pl.BlockSpec((D, D2), lambda i: (0, 0)),
            pl.BlockSpec((1, D2), lambda i: (0, 0)),
            pl.BlockSpec((1, D2), lambda i: (0, 0)),
            pl.BlockSpec((1, D2), lambda i: (0, 0)),
            pl.BlockSpec((D2, V), lambda i: (0, 0)),
            pl.BlockSpec((1, V), lambda i: (0, 0)),
            pl.BlockSpec((RT, 1), lambda i: (i, 0)),
            pl.BlockSpec((V, V), lambda i: (0, 0)),
        ],
        out_specs=pl.BlockSpec((RT, V), lambda i: (i, 0)),
        out_shape=jax.ShapeDtypeStruct((S, V), F32),
    )(h, e0, e1, t0, t1, g.reshape(1, D), bn.reshape(1, D), wa,
      ba.reshape(1, D2), gh.reshape(1, D2), bh.reshape(1, D2), wb,
      bb.reshape(1, V), tok2d, mt)



def kernel(tokenizer_encoded_proteins, mask_table, params):
    p = params
    tok = tokenizer_encoded_proteins.reshape(S).astype(jnp.int32)
    tok2d = tok.reshape(S, 1)
    tok_row = tok.reshape(1, S)
    mt_f = mask_table.astype(F32)

    pos = jnp.arange(S, dtype=F32)[:, None]
    i = jnp.arange(D // 2, dtype=F32)[None, :]
    angle = pos / jnp.power(10000.0, (2.0 * i) / D)
    pe = jnp.concatenate([jnp.sin(angle), jnp.cos(angle)], axis=-1)

    x = _embed(tok2d, p['emb'], pe)

    router_list = []
    ent = []
    per_layer = []
    for l in range(L):
        wqkv = jnp.concatenate([p['Wq'][l], p['Wk'][l], p['Wv'][l]],
                               axis=1).astype(BF16)
        bqkv = jnp.concatenate([p['bq'][l], p['bk'][l], p['bv'][l]], axis=0)
        qkv = _mm_bias(x, wqkv, bqkv, out_dtype=BF16)
        q = qkv[:, :D].reshape(S, H, DH).transpose(1, 0, 2)
        k = qkv[:, D:2 * D].reshape(S, H, DH).transpose(1, 0, 2)
        v = qkv[:, 2 * D:].reshape(S, H, DH).transpose(1, 0, 2)
        ones = jnp.ones((H, S, 1), BF16)
        ve = jnp.concatenate([v, ones, jnp.zeros((H, S, DH - 1), BF16)],
                             axis=-1)
        o = _attention(tok_row, q, k, ve)
        o = o.transpose(1, 0, 2).reshape(S, D)
        h, rl, tv, ti, pos, eparts, runc = _proj_router(
            o, x, p['Wo'][l].astype(BF16), p['bo'][l], p['g1'][l],
            p['b1n'][l], p['Wr'][l], p['br'][l])
        router_list.append(rl)
        ent.append(jnp.sum(eparts) / S)
        counts = runc[NRT - 1, 0]
        dst, tok_per_slot, ept = _route_metadata(ti, pos, counts)
        xg = h.astype(BF16)[tok_per_slot]
        eo = _moe_grouped(xg, p['W1e'][l].astype(BF16), p['b1e'][l],
                          p['W2e'][l].astype(BF16), p['b2e'][l], ept)
        e0 = eo[dst[:, 0]]
        e1 = eo[dst[:, 1]]
        if l < L - 1:
            x = _combine(h, e0, e1, tv[:, 0:1], tv[:, 1:2],
                         p['g2'][l], p['b2n'][l])
        else:
            logits = _combine_head(
                h, e0, e1, tv[:, 0:1], tv[:, 1:2], p['g2'][l], p['b2n'][l],
                p['Wa'].astype(BF16), p['ba'], p['gh'], p['bh'],
                p['Wb'].astype(BF16), p['bb'], tok2d, mt_f)

    entropy_loss = (ent[0] + ent[1]) / L
    return (logits.reshape(B, S, V), router_list[0], router_list[1],
            entropy_loss)

# --- scband reference (transcript-rebuilt; emitter-appended) ---
"""Pipeline reference for scband-actor-model-encoder-noesm2-76759655514833 (READ-ONLY COPY).

The authoritative reference and input builder live on the scoring server;
editing this copy changes nothing except your own understanding.
"""

import jax, jax.numpy as jnp
import numpy as np

B, S, D, H, L, DFF, E, K = 1, 2048, 1024, 16, 2, 2048, 8, 2
SPECIAL = ['[START]', '[END]', '[PAD]', '[UNK]', '[SEG]']
AMINO = ['A','R','S','I','L','G','V','T','P','N','D','C','Q','E','H','K','F','Y','M','W','*']
CODONS = [a + b + c for a in 'UCAG' for b in 'UCAG' for c in 'UCAG']
TOKENS = SPECIAL + AMINO + CODONS
TOK2ID = {t: i for i, t in enumerate(TOKENS)}
V = len(TOKENS)
PAD_IDX = TOK2ID['[PAD]']
CODON_TABLE = {'GCU':'A','GCC':'A','GCA':'A','GCG':'A','CGU':'R','CGC':'R','CGA':'R','CGG':'R','AGA':'R','AGG':'R','UCU':'S','UCC':'S','UCA':'S','UCG':'S','AGU':'S','AGC':'S','AUU':'I','AUC':'I','AUA':'I','UUA':'L','UUG':'L','CUU':'L','CUC':'L','CUA':'L','CUG':'L','GGU':'G','GGC':'G','GGA':'G','GGG':'G','GUU':'V','GUC':'V','GUA':'V','GUG':'V','ACU':'T','ACC':'T','ACA':'T','ACG':'T','CCU':'P','CCC':'P','CCA':'P','CCG':'P','AAU':'N','AAC':'N','GAU':'D','GAC':'D','UGU':'C','UGC':'C','CAA':'Q','CAG':'Q','GAA':'E','GAG':'E','CAU':'H','CAC':'H','AAA':'K','AAG':'K','UUU':'F','UUC':'F','UAU':'Y','UAC':'Y','AUG':'M','UGG':'W','UAG':'*','UGA':'*','UAA':'*'}

def _build_mask_table():
    m = np.zeros((V, V), dtype=bool)
    for codon, aa in CODON_TABLE.items():
        m[TOK2ID[aa], TOK2ID[codon]] = True
    return jnp.asarray(m)

def _ln(x, g, b, eps=1e-5):
    mu = x.mean(-1, keepdims=True)
    var = ((x - mu) ** 2).mean(-1, keepdims=True)
    return (x - mu) / jnp.sqrt(var + eps) * g + b

def _forward(tokens, mask_table, p):
    b, s = tokens.shape
    dh = D // H
    x = p['emb'][tokens]
    pos = jnp.arange(s, dtype=jnp.float32)[:, None]
    i = jnp.arange(D // 2, dtype=jnp.float32)[None, :]
    angle = pos / jnp.power(10000.0, (2.0 * i) / D)
    pe = jnp.concatenate([jnp.sin(angle), jnp.cos(angle)], axis=-1)
    x = x + pe[None]
    pad = tokens == PAD_IDX
    router_list = []
    ent = 0.0
    for l in range(L):
        q = (x @ p['Wq'][l] + p['bq'][l]).reshape(b, s, H, dh).transpose(0, 2, 1, 3)
        k = (x @ p['Wk'][l] + p['bk'][l]).reshape(b, s, H, dh).transpose(0, 2, 1, 3)
        v = (x @ p['Wv'][l] + p['bv'][l]).reshape(b, s, H, dh).transpose(0, 2, 1, 3)
        scores = jnp.matmul(q, k.transpose(0, 1, 3, 2)) / np.sqrt(dh)
        scores = jnp.where(pad[:, None, None, :], -1e9, scores)
        attn = jax.nn.softmax(scores, axis=-1)
        o = jnp.matmul(attn, v).transpose(0, 2, 1, 3).reshape(b, s, D)
        o = o @ p['Wo'][l] + p['bo'][l]
        h = _ln(x + o, p['g1'][l], p['b1n'][l])
        hf = h.reshape(b * s, D)
        rl = hf @ p['Wr'][l] + p['br'][l]
        router_list.append(rl)
        probs = jax.nn.softmax(rl, axis=-1)
        ent = ent + (-(probs * jnp.log(probs + 1e-9)).sum(-1)).mean()
        topv, topi = jax.lax.top_k(probs, K)
        topv = topv / (topv.sum(-1, keepdims=True) + 1e-9)
        gates = (jax.nn.one_hot(topi, E, dtype=jnp.float32) * topv[..., None]).sum(axis=1)
        hid = jax.nn.relu(jnp.einsum('td,edf->tef', hf, p['W1e'][l]) + p['b1e'][l][None])
        eo = jnp.einsum('tef,efd->ted', hid, p['W2e'][l]) + p['b2e'][l][None]
        moe = jnp.einsum('te,ted->td', gates, eo).reshape(b, s, D)
        x = _ln(h + moe, p['g2'][l], p['b2n'][l])
    entropy_loss = ent / L
    y = x @ p['Wa'] + p['ba']
    y = _ln(y, p['gh'], p['bh'])
    y = jax.nn.relu(y)
    logits = y @ p['Wb'] + p['bb']
    aamask = mask_table[tokens]
    logits = jnp.where(aamask, logits, -60000.0)
    return logits, router_list, entropy_loss

def setup_inputs(seed: int = 0):
    key = jax.random.key(seed)
    ks = jax.random.split(key, 40)
    def w(i, shape, s=0.02):
        return jax.random.normal(ks[i], shape, dtype=jnp.float32) * s
    params = {
        'emb': w(0, (V, D)),
        'Wq': w(1, (L, D, D)), 'bq': jnp.zeros((L, D), jnp.float32),
        'Wk': w(2, (L, D, D)), 'bk': jnp.zeros((L, D), jnp.float32),
        'Wv': w(3, (L, D, D)), 'bv': jnp.zeros((L, D), jnp.float32),
        'Wo': w(4, (L, D, D)), 'bo': jnp.zeros((L, D), jnp.float32),
        'g1': jnp.ones((L, D), jnp.float32), 'b1n': jnp.zeros((L, D), jnp.float32),
        'g2': jnp.ones((L, D), jnp.float32), 'b2n': jnp.zeros((L, D), jnp.float32),
        'Wr': w(5, (L, D, E)), 'br': jnp.zeros((L, E), jnp.float32),
        'W1e': w(6, (L, E, D, DFF)), 'b1e': jnp.zeros((L, E, DFF), jnp.float32),
        'W2e': w(7, (L, E, DFF, D)), 'b2e': jnp.zeros((L, E, D), jnp.float32),
        'Wa': w(8, (D, D // 2)), 'ba': jnp.zeros((D // 2,), jnp.float32),
        'gh': jnp.ones((D // 2,), jnp.float32), 'bh': jnp.zeros((D // 2,), jnp.float32),
        'Wb': w(9, (D // 2, V)), 'bb': jnp.zeros((V,), jnp.float32),
    }
    tokens = jax.random.randint(ks[20], (B, S), 0, V)
    return {'tokenizer_encoded_proteins': tokens, 'mask_table': _build_mask_table(), 'params': params}

def reference(tokenizer_encoded_proteins, mask_table, params):
    logits, router_list, entropy_loss = _forward(tokenizer_encoded_proteins, mask_table, params)
    return (logits, *router_list, entropy_loss)

if __name__ == "__main__":
    import jax
    _d = setup_inputs()
    print(jax.jit(kernel)(*tuple(_d.values())))

</pallas_src>

<mosaic_0001>
module attributes {stable_mosaic.version = 14 : i64} {
  func.func @_embed_k(%arg0: i32, %arg1: memref<256x1xi32, #tpu.memory_space<vmem>>, %arg2: memref<90x1024xf32, #tpu.memory_space<vmem>>, %arg3: memref<256x1024xf32, #tpu.memory_space<vmem>>, %arg4: memref<256x1024xf32, #tpu.memory_space<vmem>>) attributes {dimension_semantics = [#tpu.dimension_semantics<arbitrary>], iteration_bounds = array<i64: 8>, scalar_prefetch = 0 : i64, scratch_operands = 0 : i64, tpu.core_type = #tpu.core_type<tc>, window_params = [{transform_indices = @transform_0, window_bounds = array<i64: 256, 1>}, {pipeline_mode = #tpu.pipeline_mode<synchronous>, transform_indices = @transform_1, window_bounds = array<i64: 90, 1024>}, {transform_indices = @transform_2, window_bounds = array<i64: 256, 1024>}, {transform_indices = @transform_3, window_bounds = array<i64: 256, 1024>}]} {
    %get3A = arith.constant 0 : index
    %get3A_0 = arith.constant 0 : index
    %get3A_1 = vector.load %arg1[%get3A, %get3A_0] : memref<256x1xi32, #tpu.memory_space<vmem>>, vector<256x1xi32>
    %iota3A = tpu.iota {dimensions = array<i32: 1>} : vector<256x90xi32>
    %eq3A = vector.broadcast %get3A_1 : vector<256x1xi32> to vector<256x90xi32>
    %eq3A_2 = arith.cmpi eq, %eq3A, %iota3A : vector<256x90xi32>
    %convert_element_type3A = arith.extui %eq3A_2 : vector<256x90xi1> to vector<256x90xi32>
    %convert_element_type3A_3 = arith.sitofp %convert_element_type3A : vector<256x90xi32> to vector<256x90xf32>
    %get3A_4 = arith.constant 0 : index
    %get3A_5 = arith.constant 0 : index
    %get3A_6 = vector.load %arg2[%get3A_4, %get3A_5] : memref<90x1024xf32, #tpu.memory_space<vmem>>, vector<90x1024xf32>
    %dot_general3A = arith.constant dense<0.000000e+00> : vector<256x1024xf32>
    %dot_general3A_7 = tpu.matmul %convert_element_type3A_3, %get3A_6, %dot_general3A {dimension_numbers = #tpu.dot_dimension_numbers<[1], [0], [0], [1], [0, 0, 1, 1], [], []>, transpose_lhs_hint = false} : vector<256x90xf32>, vector<90x1024xf32>, vector<256x1024xf32> -> vector<256x1024xf32>
    %get3A_8 = arith.constant 0 : index
    %get3A_9 = arith.constant 0 : index
    %get3A_10 = vector.load %arg3[%get3A_8, %get3A_9] : memref<256x1024xf32, #tpu.memory_space<vmem>>, vector<256x1024xf32>
    %add3A = arith.addf %dot_general3A_7, %get3A_10 : vector<256x1024xf32>
    %swap3A = arith.constant 0 : index
    %swap3A_11 = arith.constant 0 : index
    %swap3A_12 = vector.load %arg4[%swap3A, %swap3A_11] : memref<256x1024xf32, #tpu.memory_space<vmem>>, vector<256x1024xf32>
    tpu.vector_store %arg4[%swap3A, %swap3A_11], %add3A {strides = array<i32>} : memref<256x1024xf32, #tpu.memory_space<vmem>>, vector<256x1024xf32>,
    return
  }
  func.func @transform_0(%arg0: i32) -> (i32, i32) {
    %c0_i32 = arith.constant 0 : i32
    %c0_i32_0 = arith.constant 0 : i32
    return %arg0, %c0_i32 : i32, i32
  }
  func.func @transform_1(%arg0: i32) -> (i32, i32) {
    %c0_i32 = arith.constant 0 : i32
    %c0_i32_0 = arith.constant 0 : i32
    %c0_i32_1 = arith.constant 0 : i32
    return %c0_i32, %c0_i32_0 : i32, i32
  }
  func.func @transform_2(%arg0: i32) -> (i32, i32) {
    %c0_i32 = arith.constant 0 : i32
    %c0_i32_0 = arith.constant 0 : i32
    return %arg0, %c0_i32 : i32, i32
  }
  func.func @transform_3(%arg0: i32) -> (i32, i32) {
    %c0_i32 = arith.constant 0 : i32
    %c0_i32_0 = arith.constant 0 : i32
    return %arg0, %c0_i32 : i32, i32
  }
}

module attributes {stable_mosaic.version = 14 : i64} {
  func.func @_mm_bias_k(%arg0: i32, %arg1: memref<256x1024xf32, #tpu.memory_space<vmem>>, %arg2: memref<1024x3072xbf16, #tpu.memory_space<vmem>>, %arg3: memref<1x3072xf32, #tpu.memory_space<vmem>>, %arg4: memref<256x3072xbf16, #tpu.memory_space<vmem>>) attributes {dimension_semantics = [#tpu.dimension_semantics<arbitrary>], iteration_bounds = array<i64: 8>, scalar_prefetch = 0 : i64, scratch_operands = 0 : i64, tpu.core_type = #tpu.core_type<tc>, window_params = [{transform_indices = @transform_0, window_bounds = array<i64: 256, 1024>}, {pipeline_mode = #tpu.pipeline_mode<synchronous>, transform_indices = @transform_1, window_bounds = array<i64: 1024, 3072>}, {pipeline_mode = #tpu.pipeline_mode<synchronous>, transform_indices = @transform_2, window_bounds = array<i64: 1, 3072>}, {transform_indices = @transform_3, window_bounds = array<i64: 256, 3072>}]} {
    %get3A = arith.constant 0 : index
    %get3A_0 = arith.constant 0 : index
    %get3A_1 = vector.load %arg1[%get3A, %get3A_0] : memref<256x1024xf32, #tpu.memory_space<vmem>>, vector<256x1024xf32>
    %convert_element_type3A = arith.truncf %get3A_1 : vector<256x1024xf32> to vector<256x1024xbf16>
    %get3A_2 = arith.constant 0 : index
    %get3A_3 = arith.constant 0 : index
    %get3A_4 = vector.load %arg2[%get3A_2, %get3A_3] : memref<1024x3072xbf16, #tpu.memory_space<vmem>>, vector<1024x3072xbf16>
    %dot_general3A = arith.constant dense<0.000000e+00> : vector<256x3072xf32>
    %dot_general3A_5 = tpu.matmul %convert_element_type3A, %get3A_4, %dot_general3A {dimension_numbers = #tpu.dot_dimension_numbers<[1], [0], [0], [1], [0, 0, 1, 1], [], []>, transpose_lhs_hint = false} : vector<256x1024xbf16>, vector<1024x3072xbf16>, vector<256x3072xf32> -> vector<256x3072xf32>
    %get3A_6 = arith.constant 0 : index
    %get3A_7 = arith.constant 0 : index
    %get3A_8 = vector.load %arg3[%get3A_6, %get3A_7] : memref<1x3072xf32, #tpu.memory_space<vmem>>, vector<1x3072xf32>
    %add3A = vector.broadcast %get3A_8 : vector<1x3072xf32> to vector<256x3072xf32>
    %add3A_9 = arith.addf %dot_general3A_5, %add3A : vector<256x3072xf32>
    %convert_element_type3A_10 = arith.truncf %add3A_9 : vector<256x3072xf32> to vector<256x3072xbf16>
    %swap3A = arith.constant 0 : index
    %swap3A_11 = arith.constant 0 : index
    %swap3A_12 = vector.load %arg4[%swap3A, %swap3A_11] : memref<256x3072xbf16, #tpu.memory_space<vmem>>, vector<256x3072xbf16>
    tpu.vector_store %arg4[%swap3A, %swap3A_11], %convert_element_type3A_10 {strides = array<i32>} : memref<256x3072xbf16, #tpu.memory_space<vmem>>, vector<256x3072xbf16>,
    return
  }
  func.func @transform_0(%arg0: i32) -> (i32, i32) {
    %c0_i32 = arith.constant 0 : i32
    %c0_i32_0 = arith.constant 0 : i32
    return %arg0, %c0_i32 : i32, i32
  }
  func.func @transform_1(%arg0: i32) -> (i32, i32) {
    %c0_i32 = arith.constant 0 : i32
    %c0_i32_0 = arith.constant 0 : i32
    %c0_i32_1 = arith.constant 0 : i32
    return %c0_i32, %c0_i32_0 : i32, i32
  }
  func.func @transform_2(%arg0: i32) -> (i32, i32) {
    %c0_i32 = arith.constant 0 : i32
    %c0_i32_0 = arith.constant 0 : i32
    %c0_i32_1 = arith.constant 0 : i32
    return %c0_i32, %c0_i32_0 : i32, i32
  }
  func.func @transform_3(%arg0: i32) -> (i32, i32) {
    %c0_i32 = arith.constant 0 : i32
    %c0_i32_0 = arith.constant 0 : i32
    return %arg0, %c0_i32 : i32, i32
  }
}

module attributes {stable_mosaic.version = 14 : i64} {
  func.func @_attn_k(%arg0: i32, %arg1: memref<1x2048xi32, #tpu.memory_space<vmem>>, %arg2: memref<1x2048x64xbf16, #tpu.memory_space<vmem>>, %arg3: memref<1x2048x64xbf16, #tpu.memory_space<vmem>>, %arg4: memref<1x2048x128xbf16, #tpu.memory_space<vmem>>, %arg5: memref<1x2048x64xf32, #tpu.memory_space<vmem>>) attributes {dimension_semantics = [#tpu.dimension_semantics<arbitrary>], iteration_bounds = array<i64: 16>, scalar_prefetch = 0 : i64, scratch_operands = 0 : i64, tpu.core_type = #tpu.core_type<tc>, window_params = [{pipeline_mode = #tpu.pipeline_mode<synchronous>, transform_indices = @transform_0, window_bounds = array<i64: 1, 2048>}, {transform_indices = @transform_1, window_bounds = array<i64: 1, 2048, 64>}, {transform_indices = @transform_2, window_bounds = array<i64: 1, 2048, 64>}, {transform_indices = @transform_3, window_bounds = array<i64: 1, 2048, 128>}, {transform_indices = @transform_4, window_bounds = array<i64: 1, 2048, 64>}]} {
    %get3A = arith.constant 0 : index
    %get3A_0 = arith.constant 0 : index
    %get3A_1 = arith.constant 0 : index
    %get3A_2 = vector.load %arg3[%get3A, %get3A_0, %get3A_1] : memref<1x2048x64xbf16, #tpu.memory_space<vmem>>, vector<1x2048x64xbf16>
    %get3A_3 = vector.shape_cast %get3A_2 : vector<1x2048x64xbf16> to vector<2048x64xbf16>
    %get3A_4 = arith.constant 0 : index
    %get3A_5 = arith.constant 0 : index
    %get3A_6 = arith.constant 0 : index
    %get3A_7 = vector.load %arg4[%get3A_4, %get3A_5, %get3A_6] : memref<1x2048x128xbf16, #tpu.memory_space<vmem>>, vector<1x2048x128xbf16>
    %get3A_8 = vector.shape_cast %get3A_7 : vector<1x2048x128xbf16> to vector<2048x128xbf16>
    %get3A_9 = arith.constant 0 : index
    %get3A_10 = arith.constant 0 : index
    %get3A_11 = vector.load %arg1[%get3A_9, %get3A_10] : memref<1x2048xi32, #tpu.memory_space<vmem>>, vector<1x2048xi32>
    %eq3A = arith.constant 2 : i32
    %eq3A_12 = vector.broadcast %eq3A : i32 to vector<1x2048xi32>
    %eq3A_13 = arith.cmpi eq, %get3A_11, %eq3A_12 : vector<1x2048xi32>
    %get3A_14 = arith.constant 0 : index
    %get3A_15 = arith.constant 0 : index
    %get3A_16 = arith.constant 0 : index
    %get3A_17 = vector.load %arg2[%get3A_14, %get3A_15, %get3A_16] : memref<1x2048x64xbf16, #tpu.memory_space<vmem>>, vector<1x512x64xbf16>
    %get3A_18 = vector.shape_cast %get3A_17 : vector<1x512x64xbf16> to vector<512x64xbf16>
    %dot_general3A = arith.constant dense<0.000000e+00> : vector<512x2048xf32>
    %dot_general3A_19 = tpu.matmul %get3A_18, %get3A_3, %dot_general3A {dimension_numbers = #tpu.dot_dimension_numbers<[1], [1], [0], [0], [0, 0, 1, 0], [], []>, transpose_lhs_hint = false} : vector<512x64xbf16>, vector<2048x64xbf16>, vector<512x2048xf32> -> vector<512x2048xf32>
    %mul3A = arith.constant 1.250000e-01 : f32
    %mul3A_20 = vector.broadcast %mul3A : f32 to vector<512x2048xf32>
    %mul3A_21 = arith.mulf %dot_general3A_19, %mul3A_20 : vector<512x2048xf32>
    %jit3A = arith.constant -1.000000e+09 : f32
    %broadcast_in_dim3A = vector.shape_cast %eq3A_13 : vector<1x2048xi1> to vector<1x2048xi1>
    %broadcast_in_dim3A_22 = vector.broadcast %broadcast_in_dim3A : vector<1x2048xi1> to vector<512x2048xi1>
    %broadcast_in_dim3A_23 = vector.broadcast %jit3A : f32 to vector<512x2048xf32>
    %select_n3A = arith.select %broadcast_in_dim3A_22, %broadcast_in_dim3A_23, %mul3A_21 : vector<512x2048xi1>, vector<512x2048xf32>
    %reduce_max3A = arith.constant dense<0xFF800000> : vector<512xf32>
    %reduce_max3A_24 = vector.multi_reduction <maximumf>, %select_n3A, %reduce_max3A [1] : vector<512x2048xf32> to vector<512xf32>
    %broadcast_in_dim3A_25 = vector.shape_cast %reduce_max3A_24 : vector<512xf32> to vector<512x1xf32>
    %sub3A = vector.broadcast %broadcast_in_dim3A_25 : vector<512x1xf32> to vector<512x2048xf32>
    %sub3A_26 = arith.subf %select_n3A, %sub3A : vector<512x2048xf32>
    %exp3A = math.exp %sub3A_26 : vector<512x2048xf32>
    %convert_element_type3A = arith.truncf %exp3A : vector<512x2048xf32> to vector<512x2048xbf16>
    %dot_general3A_27 = arith.constant dense<0.000000e+00> : vector<512x128xf32>
    %dot_general3A_28 = tpu.matmul %convert_element_type3A, %get3A_8, %dot_general3A_27 {dimension_numbers = #tpu.dot_dimension_numbers<[1], [0], [0], [1], [0, 0, 1, 1], [], []>, transpose_lhs_hint = false} : vector<512x2048xbf16>, vector<2048x128xbf16>, vector<512x128xf32> -> vector<512x128xf32>
    %slice3A = vector.extract_strided_slice %dot_general3A_28 {offsets = [0, 0], sizes = [512, 64], strides = [1, 1]} : vector<512x128xf32> to vector<512x64xf32>
    %slice3A_29 = vector.extract_strided_slice %dot_general3A_28 {offsets = [0, 64], sizes = [512, 1], strides = [1, 1]} : vector<512x128xf32> to vector<512x1xf32>
    %div3A = arith.constant 1.000000e+00 : f32
    %div3A_30 = vector.broadcast %div3A : f32 to vector<512x1xf32>
    %div3A_31 = arith.divf %div3A_30, %slice3A_29 : vector<512x1xf32>
    %mul3A_32 = vector.broadcast %div3A_31 : vector<512x1xf32> to vector<512x64xf32>
    %mul3A_33 = arith.mulf %slice3A, %mul3A_32 : vector<512x64xf32>
    %swap3A = arith.constant 0 : index
    %swap3A_34 = arith.constant 0 : index
    %swap3A_35 = arith.constant 0 : index
    %swap3A_36 = vector.load %arg5[%swap3A, %swap3A_34, %swap3A_35] : memref<1x2048x64xf32, #tpu.memory_space<vmem>>, vector<1x512x64xf32>
    %swap3A_37 = vector.shape_cast %swap3A_36 : vector<1x512x64xf32> to vector<512x64xf32>
    %swap3A_38 = vector.shape_cast %mul3A_33 : vector<512x64xf32> to vector<1x512x64xf32>
    tpu.vector_store %arg5[%swap3A, %swap3A_34, %swap3A_35], %swap3A_38 {strides = array<i32>} : memref<1x2048x64xf32, #tpu.memory_space<vmem>>, vector<1x512x64xf32>,
    %get3A_39 = arith.constant 0 : index
    %get3A_40 = arith.constant 512 : index
    %get3A_41 = arith.constant 0 : index
    %get3A_42 = vector.load %arg2[%get3A_39, %get3A_40, %get3A_41] : memref<1x2048x64xbf16, #tpu.memory_space<vmem>>, vector<1x512x64xbf16>
    %get3A_43 = vector.shape_cast %get3A_42 : vector<1x512x64xbf16> to vector<512x64xbf16>
    %dot_general3A_44 = arith.constant dense<0.000000e+00> : vector<512x2048xf32>
    %dot_general3A_45 = tpu.matmul %get3A_43, %get3A_3, %dot_general3A_44 {dimension_numbers = #tpu.dot_dimension_numbers<[1], [1], [0], [0], [0, 0, 1, 0], [], []>, transpose_lhs_hint = false} : vector<512x64xbf16>, vector<2048x64xbf16>, vector<512x2048xf32> -> vector<512x2048xf32>
    %mul3A_46 = arith.constant 1.250000e-01 : f32
    %mul3A_47 = vector.broadcast %mul3A_46 : f32 to vector<512x2048xf32>
    %mul3A_48 = arith.mulf %dot_general3A_45, %mul3A_47 : vector<512x2048xf32>
    %jit3A_49 = arith.constant -1.000000e+09 : f32
    %broadcast_in_dim3A_50 = vector.shape_cast %eq3A_13 : vector<1x2048xi1> to vector<1x2048xi1>
    %broadcast_in_dim3A_51 = vector.broadcast %broadcast_in_dim3A_50 : vector<1x2048xi1> to vector<512x2048xi1>
    %broadcast_in_dim3A_52 = vector.broadcast %jit3A_49 : f32 to vector<512x2048xf32>
    %select_n3A_53 = arith.select %broadcast_in_dim3A_51, %broadcast_in_dim3A_52, %mul3A_48 : vector<512x2048xi1>, vector<512x2048xf32>
    %reduce_max3A_54 = arith.constant dense<0xFF800000> : vector<512xf32>
    %reduce_max3A_55 = vector.multi_reduction <maximumf>, %select_n3A_53, %reduce_max3A_54 [1] : vector<512x2048xf32> to vector<512xf32>
    %broadcast_in_dim3A_56 = vector.shape_cast %reduce_max3A_55 : vector<512xf32> to vector<512x1xf32>
    %sub3A_57 = vector.broadcast %broadcast_in_dim3A_56 : vector<512x1xf32> to vector<512x2048xf32>
    %sub3A_58 = arith.subf %select_n3A_53, %sub3A_57 : vector<512x2048xf32>
    %exp3A_59 = math.exp %sub3A_58 : vector<512x2048xf32>
    %convert_element_type3A_60 = arith.truncf %exp3A_59 : vector<512x2048xf32> to vector<512x2048xbf16>
    %dot_general3A_61 = arith.constant dense<0.000000e+00> : vector<512x128xf32>
    %dot_general3A_62 = tpu.matmul %convert_element_type3A_60, %get3A_8, %dot_general3A_61 {dimension_numbers = #tpu.dot_dimension_numbers<[1], [0], [0], [1], [0, 0, 1, 1], [], []>, transpose_lhs_hint = false} : vector<512x2048xbf16>, vector<2048x128xbf16>, vector<512x128xf32> -> vector<512x128xf32>
    %slice3A_63 = vector.extract_strided_slice %dot_general3A_62 {offsets = [0, 0], sizes = [512, 64], strides = [1, 1]} : vector<512x128xf32> to vector<512x64xf32>
    %slice3A_64 = vector.extract_strided_slice %dot_general3A_62 {offsets = [0, 64], sizes = [512, 1], strides = [1, 1]} : vector<512x128xf32> to vector<512x1xf32>
    %div3A_65 = arith.constant 1.000000e+00 : f32
    %div3A_66 = vector.broadcast %div3A_65 : f32 to vector<512x1xf32>
    %div3A_67 = arith.divf %div3A_66, %slice3A_64 : vector<512x1xf32>
    %mul3A_68 = vector.broadcast %div3A_67 : vector<512x1xf32> to vector<512x64xf32>
    %mul3A_69 = arith.mulf %slice3A_63, %mul3A_68 : vector<512x64xf32>
    %swap3A_70 = arith.constant 0 : index
    %swap3A_71 = arith.constant 512 : index
    %swap3A_72 = arith.constant 0 : index
    %swap3A_73 = vector.load %arg5[%swap3A_70, %swap3A_71, %swap3A_72] : memref<1x2048x64xf32, #tpu.memory_space<vmem>>, vector<1x512x64xf32>
    %swap3A_74 = vector.shape_cast %swap3A_73 : vector<1x512x64xf32> to vector<512x64xf32>
    %swap3A_75 = vector.shape_cast %mul3A_69 : vector<512x64xf32> to vector<1x512x64xf32>
    tpu.vector_store %arg5[%swap3A_70, %swap3A_71, %swap3A_72], %swap3A_75 {strides = array<i32>} : memref<1x2048x64xf32, #tpu.memory_space<vmem>>, vector<1x512x64xf32>,
    %get3A_76 = arith.constant 0 : index
    %get3A_77 = arith.constant 1024 : index
    %get3A_78 = arith.constant 0 : index
    %get3A_79 = vector.load %arg2[%get3A_76, %get3A_77, %get3A_78] : memref<1x2048x64xbf16, #tpu.memory_space<vmem>>, vector<1x512x64xbf16>
    %get3A_80 = vector.shape_cast %get3A_79 : vector<1x512x64xbf16> to vector<512x64xbf16>
    %dot_general3A_81 = arith.constant dense<0.000000e+00> : vector<512x2048xf32>
    %dot_general3A_82 = tpu.matmul %get3A_80, %get3A_3, %dot_general3A_81 {dimension_numbers = #tpu.dot_dimension_numbers<[1], [1], [0], [0], [0, 0, 1, 0], [], []>, transpose_lhs_hint = false} : vector<512x64xbf16>, vector<2048x64xbf16>, vector<512x2048xf32> -> vector<512x2048xf32>
    %mul3A_83 = arith.constant 1.250000e-01 : f32
    %mul3A_84 = vector.broadcast %mul3A_83 : f32 to vector<512x2048xf32>
    %mul3A_85 = arith.mulf %dot_general3A_82, %mul3A_84 : vector<512x2048xf32>
    %jit3A_86 = arith.constant -1.000000e+09 : f32
    %broadcast_in_dim3A_87 = vector.shape_cast %eq3A_13 : vector<1x2048xi1> to vector<1x2048xi1>
    %broadcast_in_dim3A_88 = vector.broadcast %broadcast_in_dim3A_87 : vector<1x2048xi1> to vector<512x2048xi1>
    %broadcast_in_dim3A_89 = vector.broadcast %jit3A_86 : f32 to vector<512x2048xf32>
    %select_n3A_90 = arith.select %broadcast_in_dim3A_88, %broadcast_in_dim3A_89, %mul3A_85 : vector<512x2048xi1>, vector<512x2048xf32>
    %reduce_max3A_91 = arith.constant dense<0xFF800000> : vector<512xf32>
    %reduce_max3A_92 = vector.multi_reduction <maximumf>, %select_n3A_90, %reduce_max3A_91 [1] : vector<512x2048xf32> to vector<512xf32>
    %broadcast_in_dim3A_93 = vector.shape_cast %reduce_max3A_92 : vector<512xf32> to vector<512x1xf32>
    %sub3A_94 = vector.broadcast %broadcast_in_dim3A_93 : vector<512x1xf32> to vector<512x2048xf32>
    %sub3A_95 = arith.subf %select_n3A_90, %sub3A_94 : vector<512x2048xf32>
    %exp3A_96 = math.exp %sub3A_95 : vector<512x2048xf32>
    %convert_element_type3A_97 = arith.truncf %exp3A_96 : vector<512x2048xf32> to vector<512x2048xbf16>
    %dot_general3A_98 = arith.constant dense<0.000000e+00> : vector<512x128xf32>
    %dot_general3A_99 = tpu.matmul %convert_element_type3A_97, %get3A_8, %dot_general3A_98 {dimension_numbers = #tpu.dot_dimension_numbers<[1], [0], [0], [1], [0, 0, 1, 1], [], []>, transpose_lhs_hint = false} : vector<512x2048xbf16>, vector<2048x128xbf16>, vector<512x128xf32> -> vector<512x128xf32>
    %slice3A_100 = vector.extract_strided_slice %dot_general3A_99 {offsets = [0, 0], sizes = [512, 64], strides = [1, 1]} : vector<512x128xf32> to vector<512x64xf32>
    %slice3A_101 = vector.extract_strided_slice %dot_general3A_99 {offsets = [0, 64], sizes = [512, 1], strides = [1, 1]} : vector<512x128xf32> to vector<512x1xf32>
    %div3A_102 = arith.constant 1.000000e+00 : f32
    %div3A_103 = vector.broadcast %div3A_102 : f32 to vector<512x1xf32>
    %div3A_104 = arith.divf %div3A_103, %slice3A_101 : vector<512x1xf32>
    %mul3A_105 = vector.broadcast %div3A_104 : vector<512x1xf32> to vector<512x64xf32>
    %mul3A_106 = arith.mulf %slice3A_100, %mul3A_105 : vector<512x64xf32>
    %swap3A_107 = arith.constant 0 : index
    %swap3A_108 = arith.constant 1024 : index
    %swap3A_109 = arith.constant 0 : index
    %swap3A_110 = vector.load %arg5[%swap3A_107, %swap3A_108, %swap3A_109] : memref<1x2048x64xf32, #tpu.memory_space<vmem>>, vector<1x512x64xf32>
    %swap3A_111 = vector.shape_cast %swap3A_110 : vector<1x512x64xf32> to vector<512x64xf32>
    %swap3A_112 = vector.shape_cast %mul3A_106 : vector<512x64xf32> to vector<1x512x64xf32>
    tpu.vector_store %arg5[%swap3A_107, %swap3A_108, %swap3A_109], %swap3A_112 {strides = array<i32>} : memref<1x2048x64xf32, #tpu.memory_space<vmem>>, vector<1x512x64xf32>,
    %get3A_113 = arith.constant 0 : index
    %get3A_114 = arith.constant 1536 : index
    %get3A_115 = arith.constant 0 : index
    %get3A_116 = vector.load %arg2[%get3A_113, %get3A_114, %get3A_115] : memref<1x2048x64xbf16, #tpu.memory_space<vmem>>, vector<1x512x64xbf16>
    %get3A_117 = vector.shape_cast %get3A_116 : vector<1x512x64xbf16> to vector<512x64xbf16>
    %dot_general3A_118 = arith.constant dense<0.000000e+00> : vector<512x2048xf32>
    %dot_general3A_119 = tpu.matmul %get3A_117, %get3A_3, %dot_general3A_118 {dimension_numbers = #tpu.dot_dimension_numbers<[1], [1], [0], [0], [0, 0, 1, 0], [], []>, transpose_lhs_hint = false} : vector<512x64xbf16>, vector<2048x64xbf16>, vector<512x2048xf32> -> vector<512x2048xf32>
    %mul3A_120 = arith.constant 1.250000e-01 : f32
    %mul3A_121 = vector.broadcast %mul3A_120 : f32 to vector<512x2048xf32>
    %mul3A_122 = arith.mulf %dot_general3A_119, %mul3A_121 : vector<512x2048xf32>
    %jit3A_123 = arith.constant -1.000000e+09 : f32
    %broadcast_in_dim3A_124 = vector.shape_cast %eq3A_13 : vector<1x2048xi1> to vector<1x2048xi1>
    %broadcast_in_dim3A_125 = vector.broadcast %broadcast_in_dim3A_124 : vector<1x2048xi1> to vector<512x2048xi1>
    %broadcast_in_dim3A_126 = vector.broadcast %jit3A_123 : f32 to vector<512x2048xf32>
    %select_n3A_127 = arith.select %broadcast_in_dim3A_125, %broadcast_in_dim3A_126, %mul3A_122 : vector<512x2048xi1>, vector<512x2048xf32>
    %reduce_max3A_128 = arith.constant dense<0xFF800000> : vector<512xf32>
    %reduce_max3A_129 = vector.multi_reduction <maximumf>, %select_n3A_127, %reduce_max3A_128 [1] : vector<512x2048xf32> to vector<512xf32>
    %broadcast_in_dim3A_130 = vector.shape_cast %reduce_max3A_129 : vector<512xf32> to vector<512x1xf32>
    %sub3A_131 = vector.broadcast %broadcast_in_dim3A_130 : vector<512x1xf32> to vector<512x2048xf32>
    %sub3A_132 = arith.subf %select_n3A_127, %sub3A_131 : vector<512x2048xf32>
    %exp3A_133 = math.exp %sub3A_132 : vector<512x2048xf32>
    %convert_element_type3A_134 = arith.truncf %exp3A_133 : vector<512x2048xf32> to vector<512x2048xbf16>
    %dot_general3A_135 = arith.constant dense<0.000000e+00> : vector<512x128xf32>
    %dot_general3A_136 = tpu.matmul %convert_element_type3A_134, %get3A_8, %dot_general3A_135 {dimension_numbers = #tpu.dot_dimension_numbers<[1], [0], [0], [1], [0, 0, 1, 1], [], []>, transpose_lhs_hint = false} : vector<512x2048xbf16>, vector<2048x128xbf16>, vector<512x128xf32> -> vector<512x128xf32>
    %slice3A_137 = vector.extract_strided_slice %dot_general3A_136 {offsets = [0, 0], sizes = [512, 64], strides = [1, 1]} : vector<512x128xf32> to vector<512x64xf32>
    %slice3A_138 = vector.extract_strided_slice %dot_general3A_136 {offsets = [0, 64], sizes = [512, 1], strides = [1, 1]} : vector<512x128xf32> to vector<512x1xf32>
    %div3A_139 = arith.constant 1.000000e+00 : f32
    %div3A_140 = vector.broadcast %div3A_139 : f32 to vector<512x1xf32>
    %div3A_141 = arith.divf %div3A_140, %slice3A_138 : vector<512x1xf32>
    %mul3A_142 = vector.broadcast %div3A_141 : vector<512x1xf32> to vector<512x64xf32>
    %mul3A_143 = arith.mulf %slice3A_137, %mul3A_142 : vector<512x64xf32>
    %swap3A_144 = arith.constant 0 : index
    %swap3A_145 = arith.constant 1536 : index
    %swap3A_146 = arith.constant 0 : index
    %swap3A_147 = vector.load %arg5[%swap3A_144, %swap3A_145, %swap3A_146] : memref<1x2048x64xf32, #tpu.memory_space<vmem>>, vector<1x512x64xf32>
    %swap3A_148 = vector.shape_cast %swap3A_147 : vector<1x512x64xf32> to vector<512x64xf32>
    %swap3A_149 = vector.shape_cast %mul3A_143 : vector<512x64xf32> to vector<1x512x64xf32>
    tpu.vector_store %arg5[%swap3A_144, %swap3A_145, %swap3A_146], %swap3A_149 {strides = array<i32>} : memref<1x2048x64xf32, #tpu.memory_space<vmem>>, vector<1x512x64xf32>,
    return
  }
  func.func @transform_0(%arg0: i32) -> (i32, i32) {
    %c0_i32 = arith.constant 0 : i32
    %c0_i32_0 = arith.constant 0 : i32
    %c0_i32_1 = arith.constant 0 : i32
    return %c0_i32, %c0_i32_0 : i32, i32
  }
  func.func @transform_1(%arg0: i32) -> (i32, i32, i32) {
    %c0_i32 = arith.constant 0 : i32
    %c0_i32_0 = arith.constant 0 : i32
    %c0_i32_1 = arith.constant 0 : i32
    return %arg0, %c0_i32, %c0_i32_0 : i32, i32, i32
  }
  func.func @transform_2(%arg0: i32) -> (i32, i32, i32) {
    %c0_i32 = arith.constant 0 : i32
    %c0_i32_0 = arith.constant 0 : i32
    %c0_i32_1 = arith.constant 0 : i32
    return %arg0, %c0_i32, %c0_i32_0 : i32, i32, i32
  }
  func.func @transform_3(%arg0: i32) -> (i32, i32, i32) {
    %c0_i32 = arith.constant 0 : i32
    %c0_i32_0 = arith.constant 0 : i32
    %c0_i32_1 = arith.constant 0 : i32
    return %arg0, %c0_i32, %c0_i32_0 : i32, i32, i32
  }
  func.func @transform_4(%arg0: i32) -> (i32, i32, i32) {
    %c0_i32 = arith.constant 0 : i32
    %c0_i32_0 = arith.constant 0 : i32
    %c0_i32_1 = arith.constant 0 : i32
    return %arg0, %c0_i32, %c0_i32_0 : i32, i32, i32
  }
}

module attributes {stable_mosaic.version = 14 : i64} {
  func.func @_proj_router_k(%arg0: i32, %arg1: memref<256x1024xf32, #tpu.memory_space<vmem>>, %arg2: memref<256x1024xf32, #tpu.memory_space<vmem>>, %arg3: memref<1024x1024xbf16, #tpu.memory_space<vmem>>, %arg4: memref<1x1024xf32, #tpu.memory_space<vmem>>, %arg5: memref<1x1024xf32, #tpu.memory_space<vmem>>, %arg6: memref<1x1024xf32, #tpu.memory_space<vmem>>, %arg7: memref<1024x8xf32, #tpu.memory_space<vmem>>, %arg8: memref<1x8xf32, #tpu.memory_space<vmem>>, %arg9: memref<256x1024xf32, #tpu.memory_space<vmem>>, %arg10: memref<256x8xf32, #tpu.memory_space<vmem>>, %arg11: memref<256x2xf32, #tpu.memory_space<vmem>>, %arg12: memref<256x2xi32, #tpu.memory_space<vmem>>, %arg13: memref<256x2xi32, #tpu.memory_space<vmem>>, %arg14: memref<1x1x1xf32, #tpu.memory_space<vmem>>, %arg15: memref<1x1x8xi32, #tpu.memory_space<vmem>>, %arg16: memref<1x8xi32, #tpu.memory_space<vmem>>) attributes {dimension_semantics = [#tpu.dimension_semantics<arbitrary>], iteration_bounds = array<i64: 8>, scalar_prefetch = 0 : i64, scratch_operands = 1 : i64, tpu.core_type = #tpu.core_type<tc>, window_params = [{transform_indices = @transform_0, window_bounds = array<i64: 256, 1024>}, {transform_indices = @transform_1, window_bounds = array<i64: 256, 1024>}, {pipeline_mode = #tpu.pipeline_mode<synchronous>, transform_indices = @transform_2, window_bounds = array<i64: 1024, 1024>}, {pipeline_mode = #tpu.pipeline_mode<synchronous>, transform_indices = @transform_3, window_bounds = array<i64: 1, 1024>}, {pipeline_mode = #tpu.pipeline_mode<synchronous>, transform_indices = @transform_4, window_bounds = array<i64: 1, 1024>}, {pipeline_mode = #tpu.pipeline_mode<synchronous>, transform_indices = @transform_5, window_bounds = array<i64: 1, 1024>}, {pipeline_mode = #tpu.pipeline_mode<synchronous>, transform_indices = @transform_6, window_bounds = array<i64: 1024, 8>}, {pipeline_mode = #tpu.pipeline_mode<synchronous>, transform_indices = @transform_7, window_bounds = array<i64: 1, 8>}, {transform_indices = @transform_8, window_bounds = array<i64: 256, 1024>}, {transform_indices = @transform_9, window_bounds = array<i64: 256, 8>}, {transform_indices = @transform_10, window_bounds = array<i64: 256, 2>}, {transform_indices = @transform_11, window_bounds = array<i64: 256, 2>}, {transform_indices = @transform_12, window_bounds = array<i64: 256, 2>}, {transform_indices = @transform_13, window_bounds = array<i64: 1, 1, 1>}, {transform_indices = @transform_14, window_bounds = array<i64: 1, 1, 8>}]} {
    %get3A = arith.constant 0 : index
    %get3A_0 = arith.constant 0 : index
    %get3A_1 = vector.load %arg1[%get3A, %get3A_0] : memref<256x1024xf32, #tpu.memory_space<vmem>>, vector<256x1024xf32>
    %convert_element_type3A = arith.truncf %get3A_1 : vector<256x1024xf32> to vector<256x1024xbf16>
    %get3A_2 = arith.constant 0 : index
    %get3A_3 = arith.constant 0 : index
    %get3A_4 = vector.load %arg3[%get3A_2, %get3A_3] : memref<1024x1024xbf16, #tpu.memory_space<vmem>>, vector<1024x1024xbf16>
    %dot_general3A = arith.constant dense<0.000000e+00> : vector<256x1024xf32>
    %dot_general3A_5 = tpu.matmul %convert_element_type3A, %get3A_4, %dot_general3A {dimension_numbers = #tpu.dot_dimension_numbers<[1], [0], [0], [1], [0, 0, 1, 1], [], []>, transpose_lhs_hint = false} : vector<256x1024xbf16>, vector<1024x1024xbf16>, vector<256x1024xf32> -> vector<256x1024xf32>
    %get3A_6 = arith.constant 0 : index
    %get3A_7 = arith.constant 0 : index
    %get3A_8 = vector.load %arg4[%get3A_6, %get3A_7] : memref<1x1024xf32, #tpu.memory_space<vmem>>, vector<1x1024xf32>
    %add3A = vector.broadcast %get3A_8 : vector<1x1024xf32> to vector<256x1024xf32>
    %add3A_9 = arith.addf %dot_general3A_5, %add3A : vector<256x1024xf32>
    %get3A_10 = arith.constant 0 : index
    %get3A_11 = arith.constant 0 : index
    %get3A_12 = vector.load %arg2[%get3A_10, %get3A_11] : memref<256x1024xf32, #tpu.memory_space<vmem>>, vector<256x1024xf32>
    %add3A_13 = arith.addf %add3A_9, %get3A_12 : vector<256x1024xf32>
    %get3A_14 = arith.constant 0 : index
    %get3A_15 = arith.constant 0 : index
    %get3A_16 = vector.load %arg5[%get3A_14, %get3A_15] : memref<1x1024xf32, #tpu.memory_space<vmem>>, vector<1x1024xf32>
    %get3A_17 = arith.constant 0 : index
    %get3A_18 = arith.constant 0 : index
    %get3A_19 = vector.load %arg6[%get3A_17, %get3A_18] : memref<1x1024xf32, #tpu.memory_space<vmem>>, vector<1x1024xf32>
    %reduce_sum3A = arith.constant dense<0.000000e+00> : vector<256xf32>
    %reduce_sum3A_20 = vector.multi_reduction <add>, %add3A_13, %reduce_sum3A [1] : vector<256x1024xf32> to vector<256xf32>
    %broadcast_in_dim3A = vector.shape_cast %reduce_sum3A_20 : vector<256xf32> to vector<256x1xf32>
    %div3A = arith.constant 1.024000e+03 : f32
    %div3A_21 = vector.broadcast %div3A : f32 to vector<256x1xf32>
    %div3A_22 = arith.divf %broadcast_in_dim3A, %div3A_21 : vector<256x1xf32>
    %sub3A = vector.broadcast %div3A_22 : vector<256x1xf32> to vector<256x1024xf32>
    %sub3A_23 = arith.subf %add3A_13, %sub3A : vector<256x1024xf32>
    %integer_pow3A = arith.mulf %sub3A_23, %sub3A_23 : vector<256x1024xf32>
    %reduce_sum3A_24 = arith.constant dense<0.000000e+00> : vector<256xf32>
    %reduce_sum3A_25 = vector.multi_reduction <add>, %integer_pow3A, %reduce_sum3A_24 [1] : vector<256x1024xf32> to vector<256xf32>
    %broadcast_in_dim3A_26 = vector.shape_cast %reduce_sum3A_25 : vector<256xf32> to vector<256x1xf32>
    %div3A_27 = arith.constant 1.024000e+03 : f32
    %div3A_28 = vector.broadcast %div3A_27 : f32 to vector<256x1xf32>
    %div3A_29 = arith.divf %broadcast_in_dim3A_26, %div3A_28 : vector<256x1xf32>
    %sub3A_30 = vector.broadcast %div3A_22 : vector<256x1xf32> to vector<256x1024xf32>
    %sub3A_31 = arith.subf %add3A_13, %sub3A_30 : vector<256x1024xf32>
    %add3A_32 = arith.constant 9.99999974E-6 : f32
    %add3A_33 = vector.broadcast %add3A_32 : f32 to vector<256x1xf32>
    %add3A_34 = arith.addf %div3A_29, %add3A_33 : vector<256x1xf32>
    %sqrt3A = math.sqrt %add3A_34 : vector<256x1xf32>
    %div3A_35 = vector.broadcast %sqrt3A : vector<256x1xf32> to vector<256x1024xf32>
    %div3A_36 = arith.divf %sub3A_31, %div3A_35 : vector<256x1024xf32>
    %mul3A = vector.broadcast %get3A_16 : vector<1x1024xf32> to vector<256x1024xf32>
    %mul3A_37 = arith.mulf %div3A_36, %mul3A : vector<256x1024xf32>
    %add3A_38 = vector.broadcast %get3A_19 : vector<1x1024xf32> to vector<256x1024xf32>
    %add3A_39 = arith.addf %mul3A_37, %add3A_38 : vector<256x1024xf32>
    %swap3A = arith.constant 0 : index
    %swap3A_40 = arith.constant 0 : index
    %swap3A_41 = vector.load %arg9[%swap3A, %swap3A_40] : memref<256x1024xf32, #tpu.memory_space<vmem>>, vector<256x1024xf32>
    tpu.vector_store %arg9[%swap3A, %swap3A_40], %add3A_39 {strides = array<i32>} : memref<256x1024xf32, #tpu.memory_space<vmem>>, vector<256x1024xf32>,
    %get3A_42 = arith.constant 0 : index
    %get3A_43 = arith.constant 0 : index
    %get3A_44 = vector.load %arg7[%get3A_42, %get3A_43] : memref<1024x8xf32, #tpu.memory_space<vmem>>, vector<1024x8xf32>
    %dot_general3A_45 = arith.constant dense<0.000000e+00> : vector<256x8xf32>
    %dot_general3A_46 = tpu.matmul %add3A_39, %get3A_44, %dot_general3A_45 {dimension_numbers = #tpu.dot_dimension_numbers<[1], [0], [0], [1], [0, 0, 1, 1], [], []>, transpose_lhs_hint = false} : vector<256x1024xf32>, vector<1024x8xf32>, vector<256x8xf32> -> vector<256x8xf32>
    %get3A_47 = arith.constant 0 : index
    %get3A_48 = arith.constant 0 : index
    %get3A_49 = vector.load %arg8[%get3A_47, %get3A_48] : memref<1x8xf32, #tpu.memory_space<vmem>>, vector<1x8xf32>
    %add3A_50 = vector.broadcast %get3A_49 : vector<1x8xf32> to vector<256x8xf32>
    %add3A_51 = arith.addf %dot_general3A_46, %add3A_50 : vector<256x8xf32>
    %swap3A_52 = arith.constant 0 : index
    %swap3A_53 = arith.constant 0 : index
    %swap3A_54 = vector.load %arg10[%swap3A_52, %swap3A_53] : memref<256x8xf32, #tpu.memory_space<vmem>>, vector<256x8xf32>
    tpu.vector_store %arg10[%swap3A_52, %swap3A_53], %add3A_51 {strides = array<i32>} : memref<256x8xf32, #tpu.memory_space<vmem>>, vector<256x8xf32>,
    %reduce_max3A = arith.constant dense<0xFF800000> : vector<256xf32>
    %reduce_max3A_55 = vector.multi_reduction <maximumf>, %add3A_51, %reduce_max3A [1] : vector<256x8xf32> to vector<256xf32>
    %broadcast_in_dim3A_56 = vector.shape_cast %reduce_max3A_55 : vector<256xf32> to vector<256x1xf32>
    %sub3A_57 = vector.broadcast %broadcast_in_dim3A_56 : vector<256x1xf32> to vector<256x8xf32>
    %sub3A_58 = arith.subf %add3A_51, %sub3A_57 : vector<256x8xf32>
    %exp3A = math.exp %sub3A_58 : vector<256x8xf32>
    %reduce_sum3A_59 = arith.constant dense<0.000000e+00> : vector<256xf32>
    %reduce_sum3A_60 = vector.multi_reduction <add>, %exp3A, %reduce_sum3A_59 [1] : vector<256x8xf32> to vector<256xf32>
    %broadcast_in_dim3A_61 = vector.shape_cast %reduce_sum3A_60 : vector<256xf32> to vector<256x1xf32>
    %div3A_62 = vector.broadcast %broadcast_in_dim3A_61 : vector<256x1xf32> to vector<256x8xf32>
    %div3A_63 = arith.divf %exp3A, %div3A_62 : vector<256x8xf32>
    %add3A_64 = arith.constant 9.99999971E-10 : f32
    %add3A_65 = vector.broadcast %add3A_64 : f32 to vector<256x8xf32>
    %add3A_66 = arith.addf %div3A_63, %add3A_65 : vector<256x8xf32>
    %log3A = math.log %add3A_66 : vector<256x8xf32>
    %mul3A_67 = arith.mulf %div3A_63, %log3A : vector<256x8xf32>
    %reduce_sum3A_68 = vector.shape_cast %mul3A_67 : vector<256x8xf32> to vector<1x256x8xf32>
    %reduce_sum3A_69 = arith.constant dense<0.000000e+00> : vector<1xf32>
    %reduce_sum3A_70 = vector.multi_reduction <add>, %reduce_sum3A_68, %reduce_sum3A_69 [1, 2] : vector<1x256x8xf32> to vector<1xf32>
    %reduce_sum3A_71 = vector.shape_cast %reduce_sum3A_70 : vector<1xf32> to vector<1x1x1xf32>
    %reduce_sum3A_72 = vector.extract %reduce_sum3A_71[0, 0, 0] : f32 from vector<1x1x1xf32>
    %neg3A = arith.constant 0.000000e+00 : f32
    %neg3A_73 = arith.subf %neg3A, %reduce_sum3A_72 : f32
    %reshape3A = vector.broadcast %neg3A_73 : f32 to vector<1x1x1xf32>
    %swap3A_74 = arith.constant 0 : index
    %swap3A_75 = arith.constant 0 : index
    %swap3A_76 = arith.constant 0 : index
    %swap3A_77 = vector.load %arg14[%swap3A_74, %swap3A_75, %swap3A_76] : memref<1x1x1xf32, #tpu.memory_space<vmem>>, vector<1x1x1xf32>
    tpu.vector_store %arg14[%swap3A_74, %swap3A_75, %swap3A_76], %reshape3A {strides = array<i32>} : memref<1x1x1xf32, #tpu.memory_space<vmem>>, vector<1x1x1xf32>,
    %iota3A = tpu.iota {dimensions = array<i32: 1>} : vector<256x8xi32>
    %reduce_max3A_78 = arith.constant dense<0xFF800000> : vector<256xf32>
    %reduce_max3A_79 = vector.multi_reduction <maximumf>, %div3A_63, %reduce_max3A_78 [1] : vector<256x8xf32> to vector<256xf32>
    %broadcast_in_dim3A_80 = vector.shape_cast %reduce_max3A_79 : vector<256xf32> to vector<256x1xf32>
    %eq3A = vector.broadcast %broadcast_in_dim3A_80 : vector<256x1xf32> to vector<256x8xf32>
    %eq3A_81 = arith.cmpf oeq, %div3A_63, %eq3A : vector<256x8xf32>
    %jit3A = arith.constant 8 : i32
    %broadcast_in_dim3A_82 = vector.broadcast %jit3A : i32 to vector<256x8xi32>
    %select_n3A = arith.select %eq3A_81, %iota3A, %broadcast_in_dim3A_82 : vector<256x8xi1>, vector<256x8xi32>
    %reduce_min3A = arith.constant dense<2147483647> : vector<256xi32>
    %reduce_min3A_83 = vector.multi_reduction <minsi>, %select_n3A, %reduce_min3A [1] : vector<256x8xi32> to vector<256xi32>
    %broadcast_in_dim3A_84 = vector.shape_cast %reduce_min3A_83 : vector<256xi32> to vector<256x1xi32>
    %eq3A_85 = vector.broadcast %broadcast_in_dim3A_84 : vector<256x1xi32> to vector<256x8xi32>
    %eq3A_86 = arith.cmpi eq, %iota3A, %eq3A_85 : vector<256x8xi32>
    %jit3A_87 = arith.constant -1.000000e+00 : f32
    %broadcast_in_dim3A_88 = vector.broadcast %jit3A_87 : f32 to vector<256x8xf32>
    %select_n3A_89 = arith.select %eq3A_86, %broadcast_in_dim3A_88, %div3A_63 : vector<256x8xi1>, vector<256x8xf32>
    %reduce_max3A_90 = arith.constant dense<0xFF800000> : vector<256xf32>
    %reduce_max3A_91 = vector.multi_reduction <maximumf>, %select_n3A_89, %reduce_max3A_90 [1] : vector<256x8xf32> to vector<256xf32>
    %broadcast_in_dim3A_92 = vector.shape_cast %reduce_max3A_91 : vector<256xf32> to vector<256x1xf32>
    %eq3A_93 = vector.broadcast %broadcast_in_dim3A_92 : vector<256x1xf32> to vector<256x8xf32>
    %eq3A_94 = arith.cmpf oeq, %select_n3A_89, %eq3A_93 : vector<256x8xf32>
    %jit3A_95 = arith.constant 8 : i32
    %broadcast_in_dim3A_96 = vector.broadcast %jit3A_95 : i32 to vector<256x8xi32>
    %select_n3A_97 = arith.select %eq3A_94, %iota3A, %broadcast_in_dim3A_96 : vector<256x8xi1>, vector<256x8xi32>
    %reduce_min3A_98 = arith.constant dense<2147483647> : vector<256xi32>
    %reduce_min3A_99 = vector.multi_reduction <minsi>, %select_n3A_97, %reduce_min3A_98 [1] : vector<256x8xi32> to vector<256xi32>
    %broadcast_in_dim3A_100 = vector.shape_cast %reduce_min3A_99 : vector<256xi32> to vector<256x1xi32>
    %add3A_101 = arith.addf %broadcast_in_dim3A_80, %broadcast_in_dim3A_92 : vector<256x1xf32>
    %add3A_102 = arith.constant 9.99999971E-10 : f32
    %add3A_103 = vector.broadcast %add3A_102 : f32 to vector<256x1xf32>
    %add3A_104 = arith.addf %add3A_101, %add3A_103 : vector<256x1xf32>
    %div3A_105 = arith.divf %broadcast_in_dim3A_80, %add3A_104 : vector<256x1xf32>
    %div3A_106 = arith.divf %broadcast_in_dim3A_92, %add3A_104 : vector<256x1xf32>
    %concatenate3A = tpu.concatenate %div3A_105, %div3A_106 in 1 : vector<256x1xf32>, vector<256x1xf32> -> vector<256x2xf32>
    %swap3A_107 = arith.constant 0 : index
    %swap3A_108 = arith.constant 0 : index
    %swap3A_109 = vector.load %arg11[%swap3A_107, %swap3A_108] : memref<256x2xf32, #tpu.memory_space<vmem>>, vector<256x2xf32>
    tpu.vector_store %arg11[%swap3A_107, %swap3A_108], %concatenate3A {strides = array<i32>} : memref<256x2xf32, #tpu.memory_space<vmem>>, vector<256x2xf32>,
    %concatenate3A_110 = tpu.concatenate %broadcast_in_dim3A_84, %broadcast_in_dim3A_100 in 1 : vector<256x1xi32>, vector<256x1xi32> -> vector<256x2xi32>
    %swap3A_111 = arith.constant 0 : index
    %swap3A_112 = arith.constant 0 : index
    %swap3A_113 = vector.load %arg12[%swap3A_111, %swap3A_112] : memref<256x2xi32, #tpu.memory_space<vmem>>, vector<256x2xi32>
    tpu.vector_store %arg12[%swap3A_111, %swap3A_112], %concatenate3A_110 {strides = array<i32>} : memref<256x2xi32, #tpu.memory_space<vmem>>, vector<256x2xi32>,
    %eq3A_114 = arith.constant 0 : i32
    %eq3A_115 = arith.cmpi eq, %arg0, %eq3A_114 : i32
    %convert_element_type3A_116 = arith.extui %eq3A_115 : i1 to i32
    %cond3A = arith.constant 0 : i32
    %cond3A_117 = arith.cmpi ne, %convert_element_type3A_116, %cond3A : i32
    scf.if %cond3A_117 {
      %broadcast_in_dim3A_198 = arith.constant 0 : i32
      %broadcast_in_dim3A_199 = vector.broadcast %broadcast_in_dim3A_198 : i32 to vector<1x8xi32>
      %swap3A_200 = arith.constant 0 : index
      %swap3A_201 = arith.constant 0 : index
      %swap3A_202 = vector.load %arg16[%swap3A_200, %swap3A_201] : memref<1x8xi32, #tpu.memory_space<vmem>>, vector<1x8xi32>
      tpu.vector_store %arg16[%swap3A_200, %swap3A_201], %broadcast_in_dim3A_199 {strides = array<i32>} : memref<1x8xi32, #tpu.memory_space<vmem>>, vector<1x8xi32>,
    } else {
    }
    %eq3A_118 = vector.broadcast %broadcast_in_dim3A_84 : vector<256x1xi32> to vector<256x8xi32>
    %eq3A_119 = arith.cmpi eq, %iota3A, %eq3A_118 : vector<256x8xi32>
    %convert_element_type3A_120 = arith.extui %eq3A_119 : vector<256x8xi1> to vector<256x8xi32>
    %eq3A_121 = vector.broadcast %broadcast_in_dim3A_100 : vector<256x1xi32> to vector<256x8xi32>
    %eq3A_122 = arith.cmpi eq, %iota3A, %eq3A_121 : vector<256x8xi32>
    %convert_element_type3A_123 = arith.extui %eq3A_122 : vector<256x8xi1> to vector<256x8xi32>
    %add3A_124 = arith.addi %convert_element_type3A_120, %convert_element_type3A_123 : vector<256x8xi32>
    %broadcast_in_dim3A_125 = arith.constant 0 : i32
    %broadcast_in_dim3A_126 = vector.broadcast %broadcast_in_dim3A_125 : i32 to vector<1x8xi32>
    %slice3A = vector.extract_strided_slice %add3A_124 {offsets = [0, 0], sizes = [255, 8], strides = [1, 1]} : vector<256x8xi32> to vector<255x8xi32>
    %concatenate3A_127 = tpu.concatenate %broadcast_in_dim3A_126, %slice3A in 0 : vector<1x8xi32>, vector<255x8xi32> -> vector<256x8xi32>
    %add3A_128 = arith.addi %add3A_124, %concatenate3A_127 : vector<256x8xi32>
    %broadcast_in_dim3A_129 = arith.constant 0 : i32
    %broadcast_in_dim3A_130 = vector.broadcast %broadcast_in_dim3A_129 : i32 to vector<2x8xi32>
    %slice3A_131 = vector.extract_strided_slice %add3A_128 {offsets = [0, 0], sizes = [254, 8], strides = [1, 1]} : vector<256x8xi32> to vector<254x8xi32>
    %concatenate3A_132 = tpu.concatenate %broadcast_in_dim3A_130, %slice3A_131 in 0 : vector<2x8xi32>, vector<254x8xi32> -> vector<256x8xi32>
    %add3A_133 = arith.addi %add3A_128, %concatenate3A_132 : vector<256x8xi32>
    %broadcast_in_dim3A_134 = arith.constant 0 : i32
    %broadcast_in_dim3A_135 = vector.broadcast %broadcast_in_dim3A_134 : i32 to vector<4x8xi32>
    %slice3A_136 = vector.extract_strided_slice %add3A_133 {offsets = [0, 0], sizes = [252, 8], strides = [1, 1]} : vector<256x8xi32> to vector<252x8xi32>
    %concatenate3A_137 = tpu.concatenate %broadcast_in_dim3A_135, %slice3A_136 in 0 : vector<4x8xi32>, vector<252x8xi32> -> vector<256x8xi32>
    %add3A_138 = arith.addi %add3A_133, %concatenate3A_137 : vector<256x8xi32>
    %broadcast_in_dim3A_139 = arith.constant 0 : i32
    %broadcast_in_dim3A_140 = vector.broadcast %broadcast_in_dim3A_139 : i32 to vector<8x8xi32>
    %slice3A_141 = vector.extract_strided_slice %add3A_138 {offsets = [0, 0], sizes = [248, 8], strides = [1, 1]} : vector<256x8xi32> to vector<248x8xi32>
    %concatenate3A_142 = tpu.concatenate %broadcast_in_dim3A_140, %slice3A_141 in 0 : vector<8x8xi32>, vector<248x8xi32> -> vector<256x8xi32>
    %add3A_143 = arith.addi %add3A_138, %concatenate3A_142 : vector<256x8xi32>
    %broadcast_in_dim3A_144 = arith.constant 0 : i32
    %broadcast_in_dim3A_145 = vector.broadcast %broadcast_in_dim3A_144 : i32 to vector<16x8xi32>
    %slice3A_146 = vector.extract_strided_slice %add3A_143 {offsets = [0, 0], sizes = [240, 8], strides = [1, 1]} : vector<256x8xi32> to vector<240x8xi32>
    %concatenate3A_147 = tpu.concatenate %broadcast_in_dim3A_145, %slice3A_146 in 0 : vector<16x8xi32>, vector<240x8xi32> -> vector<256x8xi32>
    %add3A_148 = arith.addi %add3A_143, %concatenate3A_147 : vector<256x8xi32>
    %broadcast_in_dim3A_149 = arith.constant 0 : i32
    %broadcast_in_dim3A_150 = vector.broadcast %broadcast_in_dim3A_149 : i32 to vector<32x8xi32>
    %slice3A_151 = vector.extract_strided_slice %add3A_148 {offsets = [0, 0], sizes = [224, 8], strides = [1, 1]} : vector<256x8xi32> to vector<224x8xi32>
    %concatenate3A_152 = tpu.concatenate %broadcast_in_dim3A_150, %slice3A_151 in 0 : vector<32x8xi32>, vector<224x8xi32> -> vector<256x8xi32>
    %add3A_153 = arith.addi %add3A_148, %concatenate3A_152 : vector<256x8xi32>
    %broadcast_in_dim3A_154 = arith.constant 0 : i32
    %broadcast_in_dim3A_155 = vector.broadcast %broadcast_in_dim3A_154 : i32 to vector<64x8xi32>
    %slice3A_156 = vector.extract_strided_slice %add3A_153 {offsets = [0, 0], sizes = [192, 8], strides = [1, 1]} : vector<256x8xi32> to vector<192x8xi32>
    %concatenate3A_157 = tpu.concatenate %broadcast_in_dim3A_155, %slice3A_156 in 0 : vector<64x8xi32>, vector<192x8xi32> -> vector<256x8xi32>
    %add3A_158 = arith.addi %add3A_153, %concatenate3A_157 : vector<256x8xi32>
    %broadcast_in_dim3A_159 = arith.constant 0 : i32
    %broadcast_in_dim3A_160 = vector.broadcast %broadcast_in_dim3A_159 : i32 to vector<128x8xi32>
    %slice3A_161 = vector.extract_strided_slice %add3A_158 {offsets = [0, 0], sizes = [128, 8], strides = [1, 1]} : vector<256x8xi32> to vector<128x8xi32>
    %concatenate3A_162 = tpu.concatenate %broadcast_in_dim3A_160, %slice3A_161 in 0 : vector<128x8xi32>, vector<128x8xi32> -> vector<256x8xi32>
    %add3A_163 = arith.addi %add3A_158, %concatenate3A_162 : vector<256x8xi32>
    %sub3A_164 = arith.subi %add3A_163, %add3A_124 : vector<256x8xi32>
    %get3A_165 = arith.constant 0 : index
    %get3A_166 = arith.constant 0 : index
    %get3A_167 = vector.load %arg16[%get3A_165, %get3A_166] : memref<1x8xi32, #tpu.memory_space<vmem>>, vector<1x8xi32>
    %add3A_168 = vector.broadcast %get3A_167 : vector<1x8xi32> to vector<256x8xi32>
    %add3A_169 = arith.addi %sub3A_164, %add3A_168 : vector<256x8xi32>
    %mul3A_170 = arith.muli %add3A_169, %convert_element_type3A_120 : vector<256x8xi32>
    %reduce_sum3A_171 = arith.constant dense<0> : vector<256xi32>
    %reduce_sum3A_172 = vector.multi_reduction <add>, %mul3A_170, %reduce_sum3A_171 [1] : vector<256x8xi32> to vector<256xi32>
    %broadcast_in_dim3A_173 = vector.shape_cast %reduce_sum3A_172 : vector<256xi32> to vector<256x1xi32>
    %mul3A_174 = arith.muli %add3A_169, %convert_element_type3A_123 : vector<256x8xi32>
    %reduce_sum3A_175 = arith.constant dense<0> : vector<256xi32>
    %reduce_sum3A_176 = vector.multi_reduction <add>, %mul3A_174, %reduce_sum3A_175 [1] : vector<256x8xi32> to vector<256xi32>
    %broadcast_in_dim3A_177 = vector.shape_cast %reduce_sum3A_176 : vector<256xi32> to vector<256x1xi32>
    %concatenate3A_178 = tpu.concatenate %broadcast_in_dim3A_173, %broadcast_in_dim3A_177 in 1 : vector<256x1xi32>, vector<256x1xi32> -> vector<256x2xi32>
    %swap3A_179 = arith.constant 0 : index
    %swap3A_180 = arith.constant 0 : index
    %swap3A_181 = vector.load %arg13[%swap3A_179, %swap3A_180] : memref<256x2xi32, #tpu.memory_space<vmem>>, vector<256x2xi32>
    tpu.vector_store %arg13[%swap3A_179, %swap3A_180], %concatenate3A_178 {strides = array<i32>} : memref<256x2xi32, #tpu.memory_space<vmem>>, vector<256x2xi32>,
    %get3A_182 = arith.constant 0 : index
    %get3A_183 = arith.constant 0 : index
    %get3A_184 = vector.load %arg16[%get3A_182, %get3A_183] : memref<1x8xi32, #tpu.memory_space<vmem>>, vector<1x8xi32>
    %slice3A_185 = vector.extract_strided_slice %add3A_163 {offsets = [255, 0], sizes = [1, 8], strides = [1, 1]} : vector<256x8xi32> to vector<1x8xi32>
    %add3A_186 = arith.addi %get3A_184, %slice3A_185 : vector<1x8xi32>
    %swap3A_187 = arith.constant 0 : index
    %swap3A_188 = arith.constant 0 : index
    %swap3A_189 = vector.load %arg16[%swap3A_187, %swap3A_188] : memref<1x8xi32, #tpu.memory_space<vmem>>, vector<1x8xi32>
    tpu.vector_store %arg16[%swap3A_187, %swap3A_188], %add3A_186 {strides = array<i32>} : memref<1x8xi32, #tpu.memory_space<vmem>>, vector<1x8xi32>,
    %get3A_190 = arith.constant 0 : index
    %get3A_191 = arith.constant 0 : index
    %get3A_192 = vector.load %arg16[%get3A_190, %get3A_191] : memref<1x8xi32, #tpu.memory_space<vmem>>, vector<1x8xi32>
    %reshape3A_193 = vector.shape_cast %get3A_192 : vector<1x8xi32> to vector<1x1x8xi32>
    %swap3A_194 = arith.constant 0 : index
    %swap3A_195 = arith.constant 0 : index
    %swap3A_196 = arith.constant 0 : index
    %swap3A_197 = vector.load %arg15[%swap3A_194, %swap3A_195, %swap3A_196] : memref<1x1x8xi32, #tpu.memory_space<vmem>>, vector<1x1x8xi32>
    tpu.vector_store %arg15[%swap3A_194, %swap3A_195, %swap3A_196], %reshape3A_193 {strides = array<i32>} : memref<1x1x8xi32, #tpu.memory_space<vmem>>, vector<1x1x8xi32>,
    return
  }
  func.func @transform_0(%arg0: i32) -> (i32, i32) {
    %c0_i32 = arith.constant 0 : i32
    %c0_i32_0 = arith.constant 0 : i32
    return %arg0, %c0_i32 : i32, i32
  }
  func.func @transform_1(%arg0: i32) -> (i32, i32) {
    %c0_i32 = arith.constant 0 : i32
    %c0_i32_0 = arith.constant 0 : i32
    return %arg0, %c0_i32 : i32, i32
  }
  func.func @transform_2(%arg0: i32) -> (i32, i32) {
    %c0_i32 = arith.constant 0 : i32
    %c0_i32_0 = arith.constant 0 : i32
    %c0_i32_1 = arith.constant 0 : i32
    return %c0_i32, %c0_i32_0 : i32, i32
  }
  func.func @transform_3(%arg0: i32) -> (i32, i32) {
    %c0_i32 = arith.constant 0 : i32
    %c0_i32_0 = arith.constant 0 : i32
    %c0_i32_1 = arith.constant 0 : i32
    return %c0_i32, %c0_i32_0 : i32, i32
  }
  func.func @transform_4(%arg0: i32) -> (i32, i32) {
    %c0_i32 = arith.constant 0 : i32
    %c0_i32_0 = arith.constant 0 : i32
    %c0_i32_1 = arith.constant 0 : i32
    return %c0_i32, %c0_i32_0 : i32, i32
  }
  func.func @transform_5(%arg0: i32) -> (i32, i32) {
    %c0_i32 = arith.constant 0 : i32
    %c0_i32_0 = arith.constant 0 : i32
    %c0_i32_1 = arith.constant 0 : i32
    return %c0_i32, %c0_i32_0 : i32, i32
  }
  func.func @transform_6(%arg0: i32) -> (i32, i32) {
    %c0_i32 = arith.constant 0 : i32
    %c0_i32_0 = arith.constant 0 : i32
    %c0_i32_1 = arith.constant 0 : i32
    return %c0_i32, %c0_i32_0 : i32, i32
  }
  func.func @transform_7(%arg0: i32) -> (i32, i32) {
    %c0_i32 = arith.constant 0 : i32
    %c0_i32_0 = arith.constant 0 : i32
    %c0_i32_1 = arith.constant 0 : i32
    return %c0_i32, %c0_i32_0 : i32, i32
  }
  func.func @transform_8(%arg0: i32) -> (i32, i32) {
    %c0_i32 = arith.constant 0 : i32
    %c0_i32_0 = arith.constant 0 : i32
    return %arg0, %c0_i32 : i32, i32
  }
  func.func @transform_9(%arg0: i32) -> (i32, i32) {
    %c0_i32 = arith.constant 0 : i32
    %c0_i32_0 = arith.constant 0 : i32
    return %arg0, %c0_i32 : i32, i32
  }
  func.func @transform_10(%arg0: i32) -> (i32, i32) {
    %c0_i32 = arith.constant 0 : i32
    %c0_i32_0 = arith.constant 0 : i32
    return %arg0, %c0_i32 : i32, i32
  }
  func.func @transform_11(%arg0: i32) -> (i32, i32) {
    %c0_i32 = arith.constant 0 : i32
    %c0_i32_0 = arith.constant 0 : i32
    return %arg0, %c0_i32 : i32, i32
  }
  func.func @transform_12(%arg0: i32) -> (i32, i32) {
    %c0_i32 = arith.constant 0 : i32
    %c0_i32_0 = arith.constant 0 : i32
    return %arg0, %c0_i32 : i32, i32
  }
  func.func @transform_13(%arg0: i32) -> (i32, i32, i32) {
    %c0_i32 = arith.constant 0 : i32
    %c0_i32_0 = arith.constant 0 : i32
    %c0_i32_1 = arith.constant 0 : i32
    return %arg0, %c0_i32, %c0_i32_0 : i32, i32, i32
  }
  func.func @transform_14(%arg0: i32) -> (i32, i32, i32) {
    %c0_i32 = arith.constant 0 : i32
    %c0_i32_0 = arith.constant 0 : i32
    %c0_i32_1 = arith.constant 0 : i32
    return %arg0, %c0_i32, %c0_i32_0 : i32, i32, i32
  }
}

module attributes {stable_mosaic.version = 14 : i64} {
  func.func @_moe_k(%arg0: i32, %arg1: memref<24xi32, #tpu.memory_space<smem>>, %arg2: memref<256x1024xbf16, #tpu.memory_space<vmem>>, %arg3: memref<1x1024x2048xbf16, #tpu.memory_space<vmem>>, %arg4: memref<1x1x2048xf32, #tpu.memory_space<vmem>>, %arg5: memref<1x2048x1024xbf16, #tpu.memory_space<vmem>>, %arg6: memref<1x1x1024xf32, #tpu.memory_space<vmem>>, %arg7: memref<256x1024xf32, #tpu.memory_space<vmem>>) attributes {dimension_semantics = [#tpu.dimension_semantics<arbitrary>], iteration_bounds = array<i64: 24>, scalar_prefetch = 1 : i64, scratch_operands = 0 : i64, tpu.core_type = #tpu.core_type<tc>, window_params = [{transform_indices = @transform_0, window_bounds = array<i64: 256, 1024>}, {transform_indices = @transform_1, window_bounds = array<i64: 1, 1024, 2048>}, {transform_indices = @transform_2, window_bounds = array<i64: 1, 1, 2048>}, {transform_indices = @transform_3, window_bounds = array<i64: 1, 2048, 1024>}, {transform_indices = @transform_4, window_bounds = array<i64: 1, 1, 1024>}, {transform_indices = @transform_5, window_bounds = array<i64: 256, 1024>}]} {
    %get3A = arith.constant 0 : index
    %get3A_0 = arith.constant 0 : index
    %get3A_1 = vector.load %arg2[%get3A, %get3A_0] : memref<256x1024xbf16, #tpu.memory_space<vmem>>, vector<256x1024xbf16>
    %get3A_2 = arith.constant 0 : index
    %get3A_3 = arith.constant 0 : index
    %get3A_4 = arith.constant 0 : index
    %get3A_5 = vector.load %arg3[%get3A_2, %get3A_3, %get3A_4] : memref<1x1024x2048xbf16, #tpu.memory_space<vmem>>, vector<1x1024x2048xbf16>
    %get3A_6 = vector.shape_cast %get3A_5 : vector<1x1024x2048xbf16> to vector<1024x2048xbf16>
    %dot_general3A = arith.constant dense<0.000000e+00> : vector<256x2048xf32>
    %dot_general3A_7 = tpu.matmul %get3A_1, %get3A_6, %dot_general3A {dimension_numbers = #tpu.dot_dimension_numbers<[1], [0], [0], [1], [0, 0, 1, 1], [], []>, transpose_lhs_hint = false} : vector<256x1024xbf16>, vector<1024x2048xbf16>, vector<256x2048xf32> -> vector<256x2048xf32>
    %get3A_8 = arith.constant 0 : index
    %get3A_9 = arith.constant 0 : index
    %get3A_10 = arith.constant 0 : index
    %get3A_11 = vector.load %arg4[%get3A_8, %get3A_9, %get3A_10] : memref<1x1x2048xf32, #tpu.memory_space<vmem>>, vector<1x1x2048xf32>
    %get3A_12 = vector.shape_cast %get3A_11 : vector<1x1x2048xf32> to vector<1x2048xf32>
    %add3A = vector.broadcast %get3A_12 : vector<1x2048xf32> to vector<256x2048xf32>
    %add3A_13 = arith.addf %dot_general3A_7, %add3A : vector<256x2048xf32>
    %max3A = arith.constant 0.000000e+00 : f32
    %max3A_14 = vector.broadcast %max3A : f32 to vector<256x2048xf32>
    %max3A_15 = arith.maximumf %add3A_13, %max3A_14 : vector<256x2048xf32>
    %convert_element_type3A = arith.truncf %max3A_15 : vector<256x2048xf32> to vector<256x2048xbf16>
    %get3A_16 = arith.constant 0 : index
    %get3A_17 = arith.constant 0 : index
    %get3A_18 = arith.constant 0 : index
    %get3A_19 = vector.load %arg5[%get3A_16, %get3A_17, %get3A_18] : memref<1x2048x1024xbf16, #tpu.memory_space<vmem>>, vector<1x2048x1024xbf16>
    %get3A_20 = vector.shape_cast %get3A_19 : vector<1x2048x1024xbf16> to vector<2048x1024xbf16>
    %dot_general3A_21 = arith.constant dense<0.000000e+00> : vector<256x1024xf32>
    %dot_general3A_22 = tpu.matmul %convert_element_type3A, %get3A_20, %dot_general3A_21 {dimension_numbers = #tpu.dot_dimension_numbers<[1], [0], [0], [1], [0, 0, 1, 1], [], []>, transpose_lhs_hint = false} : vector<256x2048xbf16>, vector<2048x1024xbf16>, vector<256x1024xf32> -> vector<256x1024xf32>
    %get3A_23 = arith.constant 0 : index
    %get3A_24 = arith.constant 0 : index
    %get3A_25 = arith.constant 0 : index
    %get3A_26 = vector.load %arg6[%get3A_23, %get3A_24, %get3A_25] : memref<1x1x1024xf32, #tpu.memory_space<vmem>>, vector<1x1x1024xf32>
    %get3A_27 = vector.shape_cast %get3A_26 : vector<1x1x1024xf32> to vector<1x1024xf32>
    %add3A_28 = vector.broadcast %get3A_27 : vector<1x1024xf32> to vector<256x1024xf32>
    %add3A_29 = arith.addf %dot_general3A_22, %add3A_28 : vector<256x1024xf32>
    %swap3A = arith.constant 0 : index
    %swap3A_30 = arith.constant 0 : index
    %swap3A_31 = vector.load %arg7[%swap3A, %swap3A_30] : memref<256x1024xf32, #tpu.memory_space<vmem>>, vector<256x1024xf32>
    tpu.vector_store %arg7[%swap3A, %swap3A_30], %add3A_29 {strides = array<i32>} : memref<256x1024xf32, #tpu.memory_space<vmem>>, vector<256x1024xf32>,
    return
  }
  func.func @transform_0(%arg0: i32, %arg1: memref<24xi32, #tpu.memory_space<smem>>) -> (i32, i32) {
    %c0_i32 = arith.constant 0 : i32
    %c0_i32_0 = arith.constant 0 : i32
    return %arg0, %c0_i32 : i32, i32
  }
  func.func @transform_1(%arg0: i32, %arg1: memref<24xi32, #tpu.memory_space<smem>>) -> (i32, i32, i32) {
    %get3A = arith.index_cast %arg0 : i32 to index
    %get3A_0 = memref.load %arg1[%get3A] : memref<24xi32, #tpu.memory_space<smem>>
    %c0_i32 = arith.constant 0 : i32
    %c0_i32_1 = arith.constant 0 : i32
    %c0_i32_2 = arith.constant 0 : i32
    return %get3A_0, %c0_i32, %c0_i32_1 : i32, i32, i32
  }
  func.func @transform_2(%arg0: i32, %arg1: memref<24xi32, #tpu.memory_space<smem>>) -> (i32, i32, i32) {
    %get3A = arith.index_cast %arg0 : i32 to index
    %get3A_0 = memref.load %arg1[%get3A] : memref<24xi32, #tpu.memory_space<smem>>
    %c0_i32 = arith.constant 0 : i32
    %c0_i32_1 = arith.constant 0 : i32
    %c0_i32_2 = arith.constant 0 : i32
    return %get3A_0, %c0_i32, %c0_i32_1 : i32, i32, i32
  }
  func.func @transform_3(%arg0: i32, %arg1: memref<24xi32, #tpu.memory_space<smem>>) -> (i32, i32, i32) {
    %get3A = arith.index_cast %arg0 : i32 to index
    %get3A_0 = memref.load %arg1[%get3A] : memref<24xi32, #tpu.memory_space<smem>>
    %c0_i32 = arith.constant 0 : i32
    %c0_i32_1 = arith.constant 0 : i32
    %c0_i32_2 = arith.constant 0 : i32
    return %get3A_0, %c0_i32, %c0_i32_1 : i32, i32, i32
  }
  func.func @transform_4(%arg0: i32, %arg1: memref<24xi32, #tpu.memory_space<smem>>) -> (i32, i32, i32) {
    %get3A = arith.index_cast %arg0 : i32 to index
    %get3A_0 = memref.load %arg1[%get3A] : memref<24xi32, #tpu.memory_space<smem>>
    %c0_i32 = arith.constant 0 : i32
    %c0_i32_1 = arith.constant 0 : i32
    %c0_i32_2 = arith.constant 0 : i32
    return %get3A_0, %c0_i32, %c0_i32_1 : i32, i32, i32
  }
  func.func @transform_5(%arg0: i32, %arg1: memref<24xi32, #tpu.memory_space<smem>>) -> (i32, i32) {
    %c0_i32 = arith.constant 0 : i32
    %c0_i32_0 = arith.constant 0 : i32
    return %arg0, %c0_i32 : i32, i32
  }
}

module attributes {stable_mosaic.version = 14 : i64} {
  func.func @_combine_k(%arg0: i32, %arg1: memref<256x1024xf32, #tpu.memory_space<vmem>>, %arg2: memref<256x1024xf32, #tpu.memory_space<vmem>>, %arg3: memref<256x1024xf32, #tpu.memory_space<vmem>>, %arg4: memref<256x1xf32, #tpu.memory_space<vmem>>, %arg5: memref<256x1xf32, #tpu.memory_space<vmem>>, %arg6: memref<1x1024xf32, #tpu.memory_space<vmem>>, %arg7: memref<1x1024xf32, #tpu.memory_space<vmem>>, %arg8: memref<256x1024xf32, #tpu.memory_space<vmem>>) attributes {dimension_semantics = [#tpu.dimension_semantics<arbitrary>], iteration_bounds = array<i64: 8>, scalar_prefetch = 0 : i64, scratch_operands = 0 : i64, tpu.core_type = #tpu.core_type<tc>, window_params = [{transform_indices = @transform_0, window_bounds = array<i64: 256, 1024>}, {transform_indices = @transform_1, window_bounds = array<i64: 256, 1024>}, {transform_indices = @transform_2, window_bounds = array<i64: 256, 1024>}, {transform_indices = @transform_3, window_bounds = array<i64: 256, 1>}, {transform_indices = @transform_4, window_bounds = array<i64: 256, 1>}, {pipeline_mode = #tpu.pipeline_mode<synchronous>, transform_indices = @transform_5, window_bounds = array<i64: 1, 1024>}, {pipeline_mode = #tpu.pipeline_mode<synchronous>, transform_indices = @transform_6, window_bounds = array<i64: 1, 1024>}, {transform_indices = @transform_7, window_bounds = array<i64: 256, 1024>}]} {
    %get3A = arith.constant 0 : index
    %get3A_0 = arith.constant 0 : index
    %get3A_1 = vector.load %arg4[%get3A, %get3A_0] : memref<256x1xf32, #tpu.memory_space<vmem>>, vector<256x1xf32>
    %get3A_2 = arith.constant 0 : index
    %get3A_3 = arith.constant 0 : index
    %get3A_4 = vector.load %arg2[%get3A_2, %get3A_3] : memref<256x1024xf32, #tpu.memory_space<vmem>>, vector<256x1024xf32>
    %mul3A = vector.broadcast %get3A_1 : vector<256x1xf32> to vector<256x1024xf32>
    %mul3A_5 = arith.mulf %mul3A, %get3A_4 : vector<256x1024xf32>
    %get3A_6 = arith.constant 0 : index
    %get3A_7 = arith.constant 0 : index
    %get3A_8 = vector.load %arg5[%get3A_6, %get3A_7] : memref<256x1xf32, #tpu.memory_space<vmem>>, vector<256x1xf32>
    %get3A_9 = arith.constant 0 : index
    %get3A_10 = arith.constant 0 : index
    %get3A_11 = vector.load %arg3[%get3A_9, %get3A_10] : memref<256x1024xf32, #tpu.memory_space<vmem>>, vector<256x1024xf32>
    %mul3A_12 = vector.broadcast %get3A_8 : vector<256x1xf32> to vector<256x1024xf32>
    %mul3A_13 = arith.mulf %mul3A_12, %get3A_11 : vector<256x1024xf32>
    %add3A = arith.addf %mul3A_5, %mul3A_13 : vector<256x1024xf32>
    %get3A_14 = arith.constant 0 : index
    %get3A_15 = arith.constant 0 : index
    %get3A_16 = vector.load %arg1[%get3A_14, %get3A_15] : memref<256x1024xf32, #tpu.memory_space<vmem>>, vector<256x1024xf32>
    %add3A_17 = arith.addf %get3A_16, %add3A : vector<256x1024xf32>
    %get3A_18 = arith.constant 0 : index
    %get3A_19 = arith.constant 0 : index
    %get3A_20 = vector.load %arg6[%get3A_18, %get3A_19] : memref<1x1024xf32, #tpu.memory_space<vmem>>, vector<1x1024xf32>
    %get3A_21 = arith.constant 0 : index
    %get3A_22 = arith.constant 0 : index
    %get3A_23 = vector.load %arg7[%get3A_21, %get3A_22] : memref<1x1024xf32, #tpu.memory_space<vmem>>, vector<1x1024xf32>
    %reduce_sum3A = arith.constant dense<0.000000e+00> : vector<256xf32>
    %reduce_sum3A_24 = vector.multi_reduction <add>, %add3A_17, %reduce_sum3A [1] : vector<256x1024xf32> to vector<256xf32>
    %broadcast_in_dim3A = vector.shape_cast %reduce_sum3A_24 : vector<256xf32> to vector<256x1xf32>
    %div3A = arith.constant 1.024000e+03 : f32
    %div3A_25 = vector.broadcast %div3A : f32 to vector<256x1xf32>
    %div3A_26 = arith.divf %broadcast_in_dim3A, %div3A_25 : vector<256x1xf32>
    %sub3A = vector.broadcast %div3A_26 : vector<256x1xf32> to vector<256x1024xf32>
    %sub3A_27 = arith.subf %add3A_17, %sub3A : vector<256x1024xf32>
    %integer_pow3A = arith.mulf %sub3A_27, %sub3A_27 : vector<256x1024xf32>
    %reduce_sum3A_28 = arith.constant dense<0.000000e+00> : vector<256xf32>
    %reduce_sum3A_29 = vector.multi_reduction <add>, %integer_pow3A, %reduce_sum3A_28 [1] : vector<256x1024xf32> to vector<256xf32>
    %broadcast_in_dim3A_30 = vector.shape_cast %reduce_sum3A_29 : vector<256xf32> to vector<256x1xf32>
    %div3A_31 = arith.constant 1.024000e+03 : f32
    %div3A_32 = vector.broadcast %div3A_31 : f32 to vector<256x1xf32>
    %div3A_33 = arith.divf %broadcast_in_dim3A_30, %div3A_32 : vector<256x1xf32>
    %sub3A_34 = vector.broadcast %div3A_26 : vector<256x1xf32> to vector<256x1024xf32>
    %sub3A_35 = arith.subf %add3A_17, %sub3A_34 : vector<256x1024xf32>
    %add3A_36 = arith.constant 9.99999974E-6 : f32
    %add3A_37 = vector.broadcast %add3A_36 : f32 to vector<256x1xf32>
    %add3A_38 = arith.addf %div3A_33, %add3A_37 : vector<256x1xf32>
    %sqrt3A = math.sqrt %add3A_38 : vector<256x1xf32>
    %div3A_39 = vector.broadcast %sqrt3A : vector<256x1xf32> to vector<256x1024xf32>
    %div3A_40 = arith.divf %sub3A_35, %div3A_39 : vector<256x1024xf32>
    %mul3A_41 = vector.broadcast %get3A_20 : vector<1x1024xf32> to vector<256x1024xf32>
    %mul3A_42 = arith.mulf %div3A_40, %mul3A_41 : vector<256x1024xf32>
    %add3A_43 = vector.broadcast %get3A_23 : vector<1x1024xf32> to vector<256x1024xf32>
    %add3A_44 = arith.addf %mul3A_42, %add3A_43 : vector<256x1024xf32>
    %swap3A = arith.constant 0 : index
    %swap3A_45 = arith.constant 0 : index
    %swap3A_46 = vector.load %arg8[%swap3A, %swap3A_45] : memref<256x1024xf32, #tpu.memory_space<vmem>>, vector<256x1024xf32>
    tpu.vector_store %arg8[%swap3A, %swap3A_45], %add3A_44 {strides = array<i32>} : memref<256x1024xf32, #tpu.memory_space<vmem>>, vector<256x1024xf32>,
    return
  }
  func.func @transform_0(%arg0: i32) -> (i32, i32) {
    %c0_i32 = arith.constant 0 : i32
    %c0_i32_0 = arith.constant 0 : i32
    return %arg0, %c0_i32 : i32, i32
  }
  func.func @transform_1(%arg0: i32) -> (i32, i32) {
    %c0_i32 = arith.constant 0 : i32
    %c0_i32_0 = arith.constant 0 : i32
    return %arg0, %c0_i32 : i32, i32
  }
  func.func @transform_2(%arg0: i32) -> (i32, i32) {
    %c0_i32 = arith.constant 0 : i32
    %c0_i32_0 = arith.constant 0 : i32
    return %arg0, %c0_i32 : i32, i32
  }
  func.func @transform_3(%arg0: i32) -> (i32, i32) {
    %c0_i32 = arith.constant 0 : i32
    %c0_i32_0 = arith.constant 0 : i32
    return %arg0, %c0_i32 : i32, i32
  }
  func.func @transform_4(%arg0: i32) -> (i32, i32) {
    %c0_i32 = arith.constant 0 : i32
    %c0_i32_0 = arith.constant 0 : i32
    return %arg0, %c0_i32 : i32, i32
  }
  func.func @transform_5(%arg0: i32) -> (i32, i32) {
    %c0_i32 = arith.constant 0 : i32
    %c0_i32_0 = arith.constant 0 : i32
    %c0_i32_1 = arith.constant 0 : i32
    return %c0_i32, %c0_i32_0 : i32, i32
  }
  func.func @transform_6(%arg0: i32) -> (i32, i32) {
    %c0_i32 = arith.constant 0 : i32
    %c0_i32_0 = arith.constant 0 : i32
    %c0_i32_1 = arith.constant 0 : i32
    return %c0_i32, %c0_i32_0 : i32, i32
  }
  func.func @transform_7(%arg0: i32) -> (i32, i32) {
    %c0_i32 = arith.constant 0 : i32
    %c0_i32_0 = arith.constant 0 : i32
    return %arg0, %c0_i32 : i32, i32
  }
}

module attributes {stable_mosaic.version = 14 : i64} {
  func.func @_combine_head_k(%arg0: i32, %arg1: memref<256x1024xf32, #tpu.memory_space<vmem>>, %arg2: memref<256x1024xf32, #tpu.memory_space<vmem>>, %arg3: memref<256x1024xf32, #tpu.memory_space<vmem>>, %arg4: memref<256x1xf32, #tpu.memory_space<vmem>>, %arg5: memref<256x1xf32, #tpu.memory_space<vmem>>, %arg6: memref<1x1024xf32, #tpu.memory_space<vmem>>, %arg7: memref<1x1024xf32, #tpu.memory_space<vmem>>, %arg8: memref<1024x512xbf16, #tpu.memory_space<vmem>>, %arg9: memref<1x512xf32, #tpu.memory_space<vmem>>, %arg10: memref<1x512xf32, #tpu.memory_space<vmem>>, %arg11: memref<1x512xf32, #tpu.memory_space<vmem>>, %arg12: memref<512x90xbf16, #tpu.memory_space<vmem>>, %arg13: memref<1x90xf32, #tpu.memory_space<vmem>>, %arg14: memref<256x1xi32, #tpu.memory_space<vmem>>, %arg15: memref<90x90xf32, #tpu.memory_space<vmem>>, %arg16: memref<256x90xf32, #tpu.memory_space<vmem>>) attributes {dimension_semantics = [#tpu.dimension_semantics<arbitrary>], iteration_bounds = array<i64: 8>, scalar_prefetch = 0 : i64, scratch_operands = 0 : i64, tpu.core_type = #tpu.core_type<tc>, window_params = [{transform_indices = @transform_0, window_bounds = array<i64: 256, 1024>}, {transform_indices = @transform_1, window_bounds = array<i64: 256, 1024>}, {transform_indices = @transform_2, window_bounds = array<i64: 256, 1024>}, {transform_indices = @transform_3, window_bounds = array<i64: 256, 1>}, {transform_indices = @transform_4, window_bounds = array<i64: 256, 1>}, {pipeline_mode = #tpu.pipeline_mode<synchronous>, transform_indices = @transform_5, window_bounds = array<i64: 1, 1024>}, {pipeline_mode = #tpu.pipeline_mode<synchronous>, transform_indices = @transform_6, window_bounds = array<i64: 1, 1024>}, {pipeline_mode = #tpu.pipeline_mode<synchronous>, transform_indices = @transform_7, window_bounds = array<i64: 1024, 512>}, {pipeline_mode = #tpu.pipeline_mode<synchronous>, transform_indices = @transform_8, window_bounds = array<i64: 1, 512>}, {pipeline_mode = #tpu.pipeline_mode<synchronous>, transform_indices = @transform_9, window_bounds = array<i64: 1, 512>}, {pipeline_mode = #tpu.pipeline_mode<synchronous>, transform_indices = @transform_10, window_bounds = array<i64: 1, 512>}, {pipeline_mode = #tpu.pipeline_mode<synchronous>, transform_indices = @transform_11, window_bounds = array<i64: 512, 90>}, {pipeline_mode = #tpu.pipeline_mode<synchronous>, transform_indices = @transform_12, window_bounds = array<i64: 1, 90>}, {transform_indices = @transform_13, window_bounds = array<i64: 256, 1>}, {pipeline_mode = #tpu.pipeline_mode<synchronous>, transform_indices = @transform_14, window_bounds = array<i64: 90, 90>}, {transform_indices = @transform_15, window_bounds = array<i64: 256, 90>}]} {
    %get3A = arith.constant 0 : index
    %get3A_0 = arith.constant 0 : index
    %get3A_1 = vector.load %arg4[%get3A, %get3A_0] : memref<256x1xf32, #tpu.memory_space<vmem>>, vector<256x1xf32>
    %get3A_2 = arith.constant 0 : index
    %get3A_3 = arith.constant 0 : index
    %get3A_4 = vector.load %arg2[%get3A_2, %get3A_3] : memref<256x1024xf32, #tpu.memory_space<vmem>>, vector<256x1024xf32>
    %mul3A = vector.broadcast %get3A_1 : vector<256x1xf32> to vector<256x1024xf32>
    %mul3A_5 = arith.mulf %mul3A, %get3A_4 : vector<256x1024xf32>
    %get3A_6 = arith.constant 0 : index
    %get3A_7 = arith.constant 0 : index
    %get3A_8 = vector.load %arg5[%get3A_6, %get3A_7] : memref<256x1xf32, #tpu.memory_space<vmem>>, vector<256x1xf32>
    %get3A_9 = arith.constant 0 : index
    %get3A_10 = arith.constant 0 : index
    %get3A_11 = vector.load %arg3[%get3A_9, %get3A_10] : memref<256x1024xf32, #tpu.memory_space<vmem>>, vector<256x1024xf32>
    %mul3A_12 = vector.broadcast %get3A_8 : vector<256x1xf32> to vector<256x1024xf32>
    %mul3A_13 = arith.mulf %mul3A_12, %get3A_11 : vector<256x1024xf32>
    %add3A = arith.addf %mul3A_5, %mul3A_13 : vector<256x1024xf32>
    %get3A_14 = arith.constant 0 : index
    %get3A_15 = arith.constant 0 : index
    %get3A_16 = vector.load %arg1[%get3A_14, %get3A_15] : memref<256x1024xf32, #tpu.memory_space<vmem>>, vector<256x1024xf32>
    %add3A_17 = arith.addf %get3A_16, %add3A : vector<256x1024xf32>
    %get3A_18 = arith.constant 0 : index
    %get3A_19 = arith.constant 0 : index
    %get3A_20 = vector.load %arg6[%get3A_18, %get3A_19] : memref<1x1024xf32, #tpu.memory_space<vmem>>, vector<1x1024xf32>
    %get3A_21 = arith.constant 0 : index
    %get3A_22 = arith.constant 0 : index
    %get3A_23 = vector.load %arg7[%get3A_21, %get3A_22] : memref<1x1024xf32, #tpu.memory_space<vmem>>, vector<1x1024xf32>
    %reduce_sum3A = arith.constant dense<0.000000e+00> : vector<256xf32>
    %reduce_sum3A_24 = vector.multi_reduction <add>, %add3A_17, %reduce_sum3A [1] : vector<256x1024xf32> to vector<256xf32>
    %broadcast_in_dim3A = vector.shape_cast %reduce_sum3A_24 : vector<256xf32> to vector<256x1xf32>
    %div3A = arith.constant 1.024000e+03 : f32
    %div3A_25 = vector.broadcast %div3A : f32 to vector<256x1xf32>
    %div3A_26 = arith.divf %broadcast_in_dim3A, %div3A_25 : vector<256x1xf32>
    %sub3A = vector.broadcast %div3A_26 : vector<256x1xf32> to vector<256x1024xf32>
    %sub3A_27 = arith.subf %add3A_17, %sub3A : vector<256x1024xf32>
    %integer_pow3A = arith.mulf %sub3A_27, %sub3A_27 : vector<256x1024xf32>
    %reduce_sum3A_28 = arith.constant dense<0.000000e+00> : vector<256xf32>
    %reduce_sum3A_29 = vector.multi_reduction <add>, %integer_pow3A, %reduce_sum3A_28 [1] : vector<256x1024xf32> to vector<256xf32>
    %broadcast_in_dim3A_30 = vector.shape_cast %reduce_sum3A_29 : vector<256xf32> to vector<256x1xf32>
    %div3A_31 = arith.constant 1.024000e+03 : f32
    %div3A_32 = vector.broadcast %div3A_31 : f32 to vector<256x1xf32>
    %div3A_33 = arith.divf %broadcast_in_dim3A_30, %div3A_32 : vector<256x1xf32>
    %sub3A_34 = vector.broadcast %div3A_26 : vector<256x1xf32> to vector<256x1024xf32>
    %sub3A_35 = arith.subf %add3A_17, %sub3A_34 : vector<256x1024xf32>
    %add3A_36 = arith.constant 9.99999974E-6 : f32
    %add3A_37 = vector.broadcast %add3A_36 : f32 to vector<256x1xf32>
    %add3A_38 = arith.addf %div3A_33, %add3A_37 : vector<256x1xf32>
    %sqrt3A = math.sqrt %add3A_38 : vector<256x1xf32>
    %div3A_39 = vector.broadcast %sqrt3A : vector<256x1xf32> to vector<256x1024xf32>
    %div3A_40 = arith.divf %sub3A_35, %div3A_39 : vector<256x1024xf32>
    %mul3A_41 = vector.broadcast %get3A_20 : vector<1x1024xf32> to vector<256x1024xf32>
    %mul3A_42 = arith.mulf %div3A_40, %mul3A_41 : vector<256x1024xf32>
    %add3A_43 = vector.broadcast %get3A_23 : vector<1x1024xf32> to vector<256x1024xf32>
    %add3A_44 = arith.addf %mul3A_42, %add3A_43 : vector<256x1024xf32>
    %convert_element_type3A = arith.truncf %add3A_44 : vector<256x1024xf32> to vector<256x1024xbf16>
    %get3A_45 = arith.constant 0 : index
    %get3A_46 = arith.constant 0 : index
    %get3A_47 = vector.load %arg8[%get3A_45, %get3A_46] : memref<1024x512xbf16, #tpu.memory_space<vmem>>, vector<1024x512xbf16>
    %dot_general3A = arith.constant dense<0.000000e+00> : vector<256x512xf32>
    %dot_general3A_48 = tpu.matmul %convert_element_type3A, %get3A_47, %dot_general3A {dimension_numbers = #tpu.dot_dimension_numbers<[1], [0], [0], [1], [0, 0, 1, 1], [], []>, transpose_lhs_hint = false} : vector<256x1024xbf16>, vector<1024x512xbf16>, vector<256x512xf32> -> vector<256x512xf32>
    %get3A_49 = arith.constant 0 : index
    %get3A_50 = arith.constant 0 : index
    %get3A_51 = vector.load %arg9[%get3A_49, %get3A_50] : memref<1x512xf32, #tpu.memory_space<vmem>>, vector<1x512xf32>
    %add3A_52 = vector.broadcast %get3A_51 : vector<1x512xf32> to vector<256x512xf32>
    %add3A_53 = arith.addf %dot_general3A_48, %add3A_52 : vector<256x512xf32>
    %get3A_54 = arith.constant 0 : index
    %get3A_55 = arith.constant 0 : index
    %get3A_56 = vector.load %arg10[%get3A_54, %get3A_55] : memref<1x512xf32, #tpu.memory_space<vmem>>, vector<1x512xf32>
    %get3A_57 = arith.constant 0 : index
    %get3A_58 = arith.constant 0 : index
    %get3A_59 = vector.load %arg11[%get3A_57, %get3A_58] : memref<1x512xf32, #tpu.memory_space<vmem>>, vector<1x512xf32>
    %reduce_sum3A_60 = arith.constant dense<0.000000e+00> : vector<256xf32>
    %reduce_sum3A_61 = vector.multi_reduction <add>, %add3A_53, %reduce_sum3A_60 [1] : vector<256x512xf32> to vector<256xf32>
    %broadcast_in_dim3A_62 = vector.shape_cast %reduce_sum3A_61 : vector<256xf32> to vector<256x1xf32>
    %div3A_63 = arith.constant 5.120000e+02 : f32
    %div3A_64 = vector.broadcast %div3A_63 : f32 to vector<256x1xf32>
    %div3A_65 = arith.divf %broadcast_in_dim3A_62, %div3A_64 : vector<256x1xf32>
    %sub3A_66 = vector.broadcast %div3A_65 : vector<256x1xf32> to vector<256x512xf32>
    %sub3A_67 = arith.subf %add3A_53, %sub3A_66 : vector<256x512xf32>
    %integer_pow3A_68 = arith.mulf %sub3A_67, %sub3A_67 : vector<256x512xf32>
    %reduce_sum3A_69 = arith.constant dense<0.000000e+00> : vector<256xf32>
    %reduce_sum3A_70 = vector.multi_reduction <add>, %integer_pow3A_68, %reduce_sum3A_69 [1] : vector<256x512xf32> to vector<256xf32>
    %broadcast_in_dim3A_71 = vector.shape_cast %reduce_sum3A_70 : vector<256xf32> to vector<256x1xf32>
    %div3A_72 = arith.constant 5.120000e+02 : f32
    %div3A_73 = vector.broadcast %div3A_72 : f32 to vector<256x1xf32>
    %div3A_74 = arith.divf %broadcast_in_dim3A_71, %div3A_73 : vector<256x1xf32>
    %sub3A_75 = vector.broadcast %div3A_65 : vector<256x1xf32> to vector<256x512xf32>
    %sub3A_76 = arith.subf %add3A_53, %sub3A_75 : vector<256x512xf32>
    %add3A_77 = arith.constant 9.99999974E-6 : f32
    %add3A_78 = vector.broadcast %add3A_77 : f32 to vector<256x1xf32>
    %add3A_79 = arith.addf %div3A_74, %add3A_78 : vector<256x1xf32>
    %sqrt3A_80 = math.sqrt %add3A_79 : vector<256x1xf32>
    %div3A_81 = vector.broadcast %sqrt3A_80 : vector<256x1xf32> to vector<256x512xf32>
    %div3A_82 = arith.divf %sub3A_76, %div3A_81 : vector<256x512xf32>
    %mul3A_83 = vector.broadcast %get3A_56 : vector<1x512xf32> to vector<256x512xf32>
    %mul3A_84 = arith.mulf %div3A_82, %mul3A_83 : vector<256x512xf32>
    %add3A_85 = vector.broadcast %get3A_59 : vector<1x512xf32> to vector<256x512xf32>
    %add3A_86 = arith.addf %mul3A_84, %add3A_85 : vector<256x512xf32>
    %max3A = arith.constant 0.000000e+00 : f32
    %max3A_87 = vector.broadcast %max3A : f32 to vector<256x512xf32>
    %max3A_88 = arith.maximumf %add3A_86, %max3A_87 : vector<256x512xf32>
    %convert_element_type3A_89 = arith.truncf %max3A_88 : vector<256x512xf32> to vector<256x512xbf16>
    %get3A_90 = arith.constant 0 : index
    %get3A_91 = arith.constant 0 : index
    %get3A_92 = vector.load %arg12[%get3A_90, %get3A_91] : memref<512x90xbf16, #tpu.memory_space<vmem>>, vector<512x90xbf16>
    %dot_general3A_93 = arith.constant dense<0.000000e+00> : vector<256x90xf32>
    %dot_general3A_94 = tpu.matmul %convert_element_type3A_89, %get3A_92, %dot_general3A_93 {dimension_numbers = #tpu.dot_dimension_numbers<[1], [0], [0], [1], [0, 0, 1, 1], [], []>, transpose_lhs_hint = false} : vector<256x512xbf16>, vector<512x90xbf16>, vector<256x90xf32> -> vector<256x90xf32>
    %get3A_95 = arith.constant 0 : index
    %get3A_96 = arith.constant 0 : index
    %get3A_97 = vector.load %arg13[%get3A_95, %get3A_96] : memref<1x90xf32, #tpu.memory_space<vmem>>, vector<1x90xf32>
    %add3A_98 = vector.broadcast %get3A_97 : vector<1x90xf32> to vector<256x90xf32>
    %add3A_99 = arith.addf %dot_general3A_94, %add3A_98 : vector<256x90xf32>
    %get3A_100 = arith.constant 0 : index
    %get3A_101 = arith.constant 0 : index
    %get3A_102 = vector.load %arg14[%get3A_100, %get3A_101] : memref<256x1xi32, #tpu.memory_space<vmem>>, vector<256x1xi32>
    %iota3A = tpu.iota {dimensions = array<i32: 1>} : vector<256x90xi32>
    %eq3A = vector.broadcast %get3A_102 : vector<256x1xi32> to vector<256x90xi32>
    %eq3A_103 = arith.cmpi eq, %eq3A, %iota3A : vector<256x90xi32>
    %convert_element_type3A_104 = arith.extui %eq3A_103 : vector<256x90xi1> to vector<256x90xi32>
    %convert_element_type3A_105 = arith.sitofp %convert_element_type3A_104 : vector<256x90xi32> to vector<256x90xf32>
    %get3A_106 = arith.constant 0 : index
    %get3A_107 = arith.constant 0 : index
    %get3A_108 = vector.load %arg15[%get3A_106, %get3A_107] : memref<90x90xf32, #tpu.memory_space<vmem>>, vector<90x90xf32>
    %dot_general3A_109 = arith.constant dense<0.000000e+00> : vector<256x90xf32>
    %dot_general3A_110 = tpu.matmul %convert_element_type3A_105, %get3A_108, %dot_general3A_109 {dimension_numbers = #tpu.dot_dimension_numbers<[1], [0], [0], [1], [0, 0, 1, 1], [], []>, transpose_lhs_hint = false} : vector<256x90xf32>, vector<90x90xf32>, vector<256x90xf32> -> vector<256x90xf32>
    %gt3A = arith.constant 5.000000e-01 : f32
    %gt3A_111 = vector.broadcast %gt3A : f32 to vector<256x90xf32>
    %gt3A_112 = arith.cmpf ogt, %dot_general3A_110, %gt3A_111 : vector<256x90xf32>
    %jit3A = arith.constant -6.000000e+04 : f32
    %broadcast_in_dim3A_113 = vector.broadcast %jit3A : f32 to vector<256x90xf32>
    %select_n3A = arith.select %gt3A_112, %add3A_99, %broadcast_in_dim3A_113 : vector<256x90xi1>, vector<256x90xf32>
    %swap3A = arith.constant 0 : index
    %swap3A_114 = arith.constant 0 : index
    %swap3A_115 = vector.load %arg16[%swap3A, %swap3A_114] : memref<256x90xf32, #tpu.memory_space<vmem>>, vector<256x90xf32>
    tpu.vector_store %arg16[%swap3A, %swap3A_114], %select_n3A {strides = array<i32>} : memref<256x90xf32, #tpu.memory_space<vmem>>, vector<256x90xf32>,
    return
  }
  func.func @transform_0(%arg0: i32) -> (i32, i32) {
    %c0_i32 = arith.constant 0 : i32
    %c0_i32_0 = arith.constant 0 : i32
    return %arg0, %c0_i32 : i32, i32
  }
  func.func @transform_1(%arg0: i32) -> (i32, i32) {
    %c0_i32 = arith.constant 0 : i32
    %c0_i32_0 = arith.constant 0 : i32
    return %arg0, %c0_i32 : i32, i32
  }
  func.func @transform_2(%arg0: i32) -> (i32, i32) {
    %c0_i32 = arith.constant 0 : i32
    %c0_i32_0 = arith.constant 0 : i32
    return %arg0, %c0_i32 : i32, i32
  }
  func.func @transform_3(%arg0: i32) -> (i32, i32) {
    %c0_i32 = arith.constant 0 : i32
    %c0_i32_0 = arith.constant 0 : i32
    return %arg0, %c0_i32 : i32, i32
  }
  func.func @transform_4(%arg0: i32) -> (i32, i32) {
    %c0_i32 = arith.constant 0 : i32
    %c0_i32_0 = arith.constant 0 : i32
    return %arg0, %c0_i32 : i32, i32
  }
  func.func @transform_5(%arg0: i32) -> (i32, i32) {
    %c0_i32 = arith.constant 0 : i32
    %c0_i32_0 = arith.constant 0 : i32
    %c0_i32_1 = arith.constant 0 : i32
    return %c0_i32, %c0_i32_0 : i32, i32
  }
  func.func @transform_6(%arg0: i32) -> (i32, i32) {
    %c0_i32 = arith.constant 0 : i32
    %c0_i32_0 = arith.constant 0 : i32
    %c0_i32_1 = arith.constant 0 : i32
    return %c0_i32, %c0_i32_0 : i32, i32
  }
  func.func @transform_7(%arg0: i32) -> (i32, i32) {
    %c0_i32 = arith.constant 0 : i32
    %c0_i32_0 = arith.constant 0 : i32
    %c0_i32_1 = arith.constant 0 : i32
    return %c0_i32, %c0_i32_0 : i32, i32
  }
  func.func @transform_8(%arg0: i32) -> (i32, i32) {
    %c0_i32 = arith.constant 0 : i32
    %c0_i32_0 = arith.constant 0 : i32
    %c0_i32_1 = arith.constant 0 : i32
    return %c0_i32, %c0_i32_0 : i32, i32
  }
  func.func @transform_9(%arg0: i32) -> (i32, i32) {
    %c0_i32 = arith.constant 0 : i32
    %c0_i32_0 = arith.constant 0 : i32
    %c0_i32_1 = arith.constant 0 : i32
    return %c0_i32, %c0_i32_0 : i32, i32
  }
  func.func @transform_10(%arg0: i32) -> (i32, i32) {
    %c0_i32 = arith.constant 0 : i32
    %c0_i32_0 = arith.constant 0 : i32
    %c0_i32_1 = arith.constant 0 : i32
    return %c0_i32, %c0_i32_0 : i32, i32
  }
  func.func @transform_11(%arg0: i32) -> (i32, i32) {
    %c0_i32 = arith.constant 0 : i32
    %c0_i32_0 = arith.constant 0 : i32
    %c0_i32_1 = arith.constant 0 : i32
    return %c0_i32, %c0_i32_0 : i32, i32
  }
  func.func @transform_12(%arg0: i32) -> (i32, i32) {
    %c0_i32 = arith.constant 0 : i32
    %c0_i32_0 = arith.constant 0 : i32
    %c0_i32_1 = arith.constant 0 : i32
    return %c0_i32, %c0_i32_0 : i32, i32
  }
  func.func @transform_13(%arg0: i32) -> (i32, i32) {
    %c0_i32 = arith.constant 0 : i32
    %c0_i32_0 = arith.constant 0 : i32
    return %arg0, %c0_i32 : i32, i32
  }
  func.func @transform_14(%arg0: i32) -> (i32, i32) {
    %c0_i32 = arith.constant 0 : i32
    %c0_i32_0 = arith.constant 0 : i32
    %c0_i32_1 = arith.constant 0 : i32
    return %c0_i32, %c0_i32_0 : i32, i32
  }
  func.func @transform_15(%arg0: i32) -> (i32, i32) {
    %c0_i32 = arith.constant 0 : i32
    %c0_i32_0 = arith.constant 0 : i32
    return %arg0, %c0_i32 : i32, i32
  }
}

</mosaic_0001>

<sc_bundles>
// kernel: gather_offload_async_start.1
scs
__scs_entry_jumppad:
0x0: {  	(pc) =	sbr.rel $0x88, $3  }
0x1: {  	(tag) =	ssettag $0x0;
	lr =	simm.s32 $0x1  }
0x2: {  	[smem:$0x3F86] =	sst lr;
	_ =	strace $0xD0000000  }
0x3: {  	_ = 	snop  }
0x4: {  	_ = 	snop  }
0x5: {  	_ = 	snop  }
0x6: {  	_ = 	snop  }
0x7: {  	_ = 	snop  }
__scs_overlays_trampoline_lowered:
0x8: {  	[smem:$0x3F95] =	sst s0  }
0x9: {  	[smem:$0x3F96] =	sst s1  }
0xa: {  	[smem:$0x3F97] =	sst s2  }
0xb: {  	[smem:$0x3F98] =	sst s3  }
0xc: {  	[smem:$0x3F99] =	sst s4  }
0xd: {  	[smem:$0x3F9A] =	sst s5  }
0xe: {  	[smem:$0x3F9B] =	sst s6  }
0xf: {  	[smem:$0x3F9C] =	sst s7  }
0x10: {  	[smem:$0x3F9D] =	sst s8  }
0x11: {  	[smem:$0x3F9E] =	sst s9;
	s0 =	simm.s32 @!p0 $0x0  }
0x12: {  	s1 =	sld [smem:$0x3F84];
	s0 =	simm.s32 @p0 $0x1  }
0x13: {  	[smem:$0x3F9F] =	sst s0;
	s0 =	simm.s32 @!p1 $0x0  }
0x14: {  	s2 =	sld [smem:$0x3F83];
	s0 =	simm.s32 @p1 $0x1  }
0x15: {  	[smem:$0x3FA0] =	sst s0;
	s0 =	simm.s32 @!p2 $0x0  }
0x16: {  	s3 =	sld [smem:$0x3FDB];
	s0 =	simm.s32 @p2 $0x1  }
0x17: {  	s4 =	simm.s32 $0x1BF5;
	[smem:$0x3FA2] =	sst s0  }
0x18: {  	s0 =	sld [smem:$0x3F85];
	_ =	swait.ge [sflag:s4], $0x0  }
0x19: {  	s7 =	sld [smem:$0x3F86]  }
0x1a: {  	s8 =	sadd.s32 $0xFFFFE003, lr  }
0x1b: {  	s9 =	sadd.s32 $0xFFFFFEF7, lr;
	s5 =	simm.s32 $0xFFFFFFFF;
	p2 =	slt.u32 s8, $0xFFFFF086  }
0x1c: {  	p1 =	slt.u32 s9, $0xF7A;
	s5 =	simm.s32 @!p2 $0x0  }
0x1d: {  	s5 =	simm.s32 @p1 $0x1;
	p0 =	seq.s32 s7, s2  }
0x1e: {  	s7 =	smul.u32 @!p0 $0xF7A, s2;
	p2 =	seq.s32 @!p0 s5, $0x0  }
0x1f: {  	s9 =	smul.u32 $0xF7A, s1;
	s8 =	simm.s32 @!p0 $0x1BF5;
	p2 =	por !p2, p0  }
0x20: {  	[sflag:s8] =	ssyncset.s32 @!p0 $0xFFFFF086;
	s6 =	sadd.s32 @!p0 s3, s7;
	s7 =	simm.s32 @!p0 $0x108  }
0x21: {  	s3 =	sadd.s32 s3, s9;
	s6 =	sadd.s32 @!p0 $0x88, s6;
	s7 =	simm.s32 @p2 $0x1082  }
0x22: {  	[simem:s7], [sflag:s8] =	dma.local @!p0 [hbm:s6], $0xF7A  }
0x23: {  	s9 =	sor.u32 $0xD0000000, s2;
	s6 =	simm.s32 $0x108;
	_ =	swait.ge @!p0 [sflag:s8], $0x0  }
0x24: {  	s3 =	sadd.s32 $0x88, s3;
	s6 =	simm.s32 @!p1 $0x1082;
	[sflag:s4] =	ssyncset.s32 $0xFFFFF086  }
0x25: {  	[simem:s6], [sflag:s4] =	dma.local [hbm:s3], $0xF7A  }
0x26: {  	[smem:$0x3F86] =	sst s1;
	(tag) =	ssettag s2;
	_ =	strace s9  }
0x27: {  	s1 =	sld [smem:$0x3F96]  }
0x28: {  	s2 =	sld [smem:$0x3F97]  }
0x29: {  	s4 =	sld [smem:$0x3F99]  }
0x2a: {  	p0 =	seq.s32 s5, $0x0;
	s5 =	sld [smem:$0x3F9A]  }
0x2b: {  	s6 =	sld [smem:$0x3F9B]  }
0x2c: {  	s7 =	sld [smem:$0x3F9C]  }
0x2d: {  	s3 =	simm.s32 $0x108;
	s8 =	sld [smem:$0x3F9D]  }
0x2e: {  	s3 =	simm.s32 @!p0 $0x1082;
	s9 =	sld [smem:$0x3F9E]  }
0x2f: {  	lr =	sadd.s32 s0, s3;
	s0 =	sld [smem:$0x3F95]  }
0x30: {  	s3 =	sld [smem:$0x3F98]  }
0x31: {  	[smem:$0x3FA1] =	sst s10  }
0x32: {  	s10 =	sld [smem:$0x3F9F];
	_ =	sdelay $0x3  }
0x33: {  	p0 =	seq.s32 s10, $0x1;
	s10 =	sld [smem:$0x3FA1];
	_ =	sdelay $0x3  }
0x34: {  	[smem:$0x3FA1] =	sst s10  }
0x35: {  	s10 =	sld [smem:$0x3FA0];
	_ =	sdelay $0x3  }
0x36: {  	p1 =	seq.s32 s10, $0x1;
	s10 =	sld [smem:$0x3FA1];
	_ =	sdelay $0x3  }
0x37: {  	[smem:$0x3FA1] =	sst s10  }
0x38: {  	s10 =	sld [smem:$0x3FA2]  }
0x39: {  	_ = 	snop;
	(pc) =	sbr.ind lr, $3  }
0x3a: {  	_ = 	snop  }
0x3b: {  	_ = 	snop  }
0x3c: {  	p2 =	seq.s32 s10, $0x1;
	s10 =	sld [smem:$0x3FA1]  }
0x3d: {  	_ =	shalt  }
0x3e: {  	_ =	shalt  }
0x3f: {  	_ =	shalt  }
0x40: {  	_ =	shalt  }
0x41: {  	_ =	shalt  }
0x42: {  	_ =	shalt  }
0x43: {  	_ =	shalt  }
0x44: {  	_ =	shalt  }
0x45: {  	_ =	shalt  }
0x46: {  	_ =	shalt  }
0x47: {  	_ =	shalt  }
0x48: {  	_ =	shalt  }
0x49: {  	_ =	shalt  }
0x4a: {  	_ =	shalt  }
0x4b: {  	_ =	shalt  }
0x4c: {  	_ =	shalt  }
0x4d: {  	_ =	shalt  }
0x4e: {  	_ =	shalt  }
0x4f: {  	_ =	shalt  }
0x50: {  	_ =	shalt  }
0x51: {  	_ =	shalt  }
0x52: {  	_ =	shalt  }
0x53: {  	_ =	shalt  }
0x54: {  	_ =	shalt  }
0x55: {  	_ =	shalt  }
0x56: {  	_ =	shalt  }
0x57: {  	_ =	shalt  }
0x58: {  	_ =	shalt  }
0x59: {  	_ =	shalt  }
0x5a: {  	_ =	shalt  }
0x5b: {  	_ =	shalt  }
0x5c: {  	_ =	shalt  }
0x5d: {  	_ =	shalt  }
0x5e: {  	_ =	shalt  }
0x5f: {  	_ =	shalt  }
0x60: {  	_ =	shalt  }
0x61: {  	_ =	shalt  }
0x62: {  	_ =	shalt  }
0x63: {  	_ =	shalt  }
0x64: {  	_ =	shalt  }
0x65: {  	_ =	shalt  }
0x66: {  	_ =	shalt  }
0x67: {  	_ =	shalt  }
0x68: {  	_ =	shalt  }
0x69: {  	_ =	shalt  }
0x6a: {  	_ =	shalt  }
0x6b: {  	_ =	shalt  }
0x6c: {  	_ =	shalt  }
0x6d: {  	_ =	shalt  }
0x6e: {  	_ =	shalt  }
0x6f: {  	_ =	shalt  }
0x70: {  	_ =	shalt  }
0x71: {  	_ =	shalt  }
0x72: {  	_ =	shalt  }
0x73: {  	_ =	shalt  }
0x74: {  	_ =	shalt  }
0x75: {  	_ =	shalt  }
0x76: {  	_ =	shalt  }
0x77: {  	_ =	shalt  }
0x78: {  	_ =	shalt  }
0x79: {  	_ =	shalt  }
0x7a: {  	_ =	shalt  }
0x7b: {  	_ =	shalt  }
0x7c: {  	_ =	shalt  }
0x7d: {  	_ =	shalt  }
0x7e: {  	_ =	shalt  }
0x7f: {  	_ =	shalt  }
0x80: {  	_ =	shalt  }
0x81: {  	_ =	shalt  }
0x82: {  	_ =	shalt  }
0x83: {  	_ =	shalt  }
0x84: {  	_ =	shalt  }
0x85: {  	_ =	shalt  }
0x86: {  	_ =	shalt  }
0x87: {  	_ =	shalt  }
.Lfunc_end0:
.L_simem_size_0:
called_computation.1_lowered:
.L_overlay_start_0:
0x88: {  	s2 =	sld [smem:$0x3FD9]  }
0x89: {  	s3 =	sld [smem:$0x3FFE];
	_ =	sdelay $0x1  }
0x8a: {  	s1 =	srdreg.scid  }
0x8b: {  	s0 =	sand.u32 $0x1, s1  }
0x8c: {  	s17 =	sshll.u32 s0, $0xA;
	s2 =	sadd.s32 s3, s2  }
0x8d: {  	s2 =	sadd.s32 s2, s17  }
0x8e: {  	[smem:$0x3FAD] =	sst s2  }
0x8f: {  	_ = 	snop  }
0x90: {  	(tm) =	ssettm $0x1  }
0x91: {  	s18 =	sld [smem:$0x3FFB];
	_ =	sdelay $0x3  }
0x92: {  	_ =	strace s18  }
0x93: {  	s2 =	sld [smem:$0x3FFC];
	_ =	sdelay $0x3  }
0x94: {  	_ =	strace s2  }
0x95: {  	s2 =	sld [smem:$0x3FFD];
	_ =	sdelay $0x3  }
0x96: {  	_ =	strace s2  }
0x97: {  	_ =	strace $0x8FFFFFFF  }
0x98: {  	s19 =	sld [smem:$0x3FDB];
	_ =	sdelay $0x1  }
0x99: {  	s20 =	simm.s32 $_scs_section_size  }
0x9a: {  	s4 =	simm.s32 $_size__tile_overlayer_lowered;
	s5 =	simm.s32 $_tile_overlayer_lowered  }
0x9b: {  	s6 =	simm.s32 $0x1BFF;
	s21 =	sshll.u32 s5, $0x1;
	s3 =	sadd.s32 s20, s19  }
0x9c: {  	s22 =	simm.s32 $0x0;
	s4 =	sshll.u32 s4, $0x1;
	s5 =	sadd.s32 s21, s3  }
0x9d: {  	[timem:s22], [sflag:s6] =	dma.local [hbm:s5], s4  }
0x9e: {  	_ =	swait.ge [sflag:s6], s4  }
0x9f: {  	s4 =	ssub.s32 $0x0, s4;
	[sflag:s6] =	ssyncset.done $0x0  }
0xa0: {  	[sflag:s6] =	ssyncadd.s32 s4;
	_ =	sdelay $0x1  }
0xa1: {  	s23 =	simm.s32 $0x1B8B  }
0xa2: {  	_ =	swait.ge [sflag:s23], $0x1  }
0xa3: {  	[sflag:s23] =	ssyncset.done $0x0  }
0xa4: {  	[sflag:s23] =	ssyncadd.s32 $0xFFFFFFFF  }
0xa5: {  	s4 =	sld [smem:$0x0]  }
0xa6: {  	s5 =	sand.u32 $0xFFFFFFFE, s1  }
0xa7: {  	p0 =	sne.s32 s1, s5  }
0xa8: {  	s5 =	sshll.u32 @p0 s5, $0xE  }
0xa9: {  	s5 =	sadd.s32 @p0 $0x11B8D, s5;
	s6 =	sshll.u32 @p0 s4, $0x11  }
0xaa: {  	s5 =	sor.u32 @p0 s6, s5  }
0xab: {  	[sflag:s5] =	ssyncadd.remote.s32 @p0 $0x1;
	_ =	sdelay $0x1  }
0xac: {  	s5 =	simm.s32 @p0 $0x1B8D  }
0xad: {  	_ =	swait.eq @p0 [sflag:s5], $0x1  }
0xae: {  	[sflag:s5] =	ssyncadd.s32 @p0 $0xFFFFFFFF  }
0xaf: {  	s6 =	sshll.u32 @!p0 s1, $0xE  }
0xb0: {  	s6 =	sor.u32 @!p0 $0x4000, s6;
	s5 =	simm.s32 @!p0 $0x1B8D  }
0xb1: {  	s4 =	sshll.u32 @!p0 s4, $0x11;
	s6 =	sadd.s32 @!p0 $0x11B8D, s6;
	_ =	swait.eq @!p0 [sflag:s5], $0x1  }
0xb2: {  	s4 =	sor.u32 @!p0 s4, s6;
	[sflag:s5] =	ssyncadd.s32 @!p0 $0xFFFFFFFF  }
0xb3: {  	s25 =	simm.s32 $0x1B8E;
	s24 =	sld [smem:$0x3FFE];
	[sflag:s4] =	ssyncadd.remote.s32 @!p0 $0x1  }
0xb4: {  	s26 =	simm.s32 $execute0_lowered;
	[smem:$0x3FD2] =	sst s25  }
0xb5: {  	s5 =	sshll.u32 s26, $0x1;
	_ =	strace $0x80000049;
	[dreg:$0x1] =	wrdreg $0xFFFFFFFF  }
0xb6: {  	s28 =	simm.s32 $_size_execute0_lowered;
	s3 =	sadd.s32 s3, s5;
	[dreg:$0x0] =	wrdreg $0x0  }
0xb7: {  	s5 =	sshll.u32 s28, $0x1;
	[dreg:$0x2] =	wrdreg s3  }
0xb8: {  	[dreg:$0x3] =	wrdreg s5  }
0xb9: {  	[dreg:$0x4] =	wrdreg $0xC0  }
0xba: {  	_ =	task [dreg:s22], $0x5FFFF  }
0xbb: {  	[dreg:$0x1] =	wrdreg $0xFFFFFFFF  }
0xbc: {  	[dreg:$0x0] =	wrdreg $0x60  }
0xbd: {  	[dreg:$0x2] =	wrdreg s24  }
0xbe: {  	[dreg:$0x3] =	wrdreg $0xA  }
0xbf: {  	_ =	task.clear_ibuf [dreg:s22], $0x4FFFF;
	_ =	strace $0x90000049  }
0xc0: {  	s29 =	simm.s32 $0xA;
	_ =	strace $0x8000004B  }
0xc1: {  	_ =	swait.ge [sflag:s29], $0x1  }
0xc2: {  	[sflag:s29] =	ssyncadd.s32 $0xFFFFFFFF  }
0xc3: {  	_ =	strace $0x9000004B  }
0xc4: {  	_ =	sfence  }
0xc5: {  	s30 =	sld [smem:$0x0];
	_ =	sdelay $0x2  }
0xc6: {  	s31 =	sshll.u32 s1, $0xD;
	s1 =	sshrl.u32 s1, $0x2  }
0xc7: {  	s4 =	sand.u32 $0x4000, s31;
	s1 =	sadd.s32 s1, s30  }
0xc8: {  	s0 =	sor.u32 s4, s0;
	s1 =	sshll.u32 s1, $0x11  }
0xc9: {  	s0 =	sor.u32 s1, s0  }
0xca: {  	s0 =	sadd.s32 $0x8F2B, s0  }
0xcb: {  	[sflag:s0] =	ssyncadd.remote.s32 $0x1  }
0xcc: {  	_ =	sfence.sel $0xFFFF  }
0xcd: {  	[dreg:$0x0] =	wrdreg $0xFFFFFFFF;
	(pc) =	sbr.abs _section_cstart, $3  }
0xce: {  	[dreg:$0x1] =	wrdreg $0xFFFFFFFF  }
0xcf: {  	_ =	task.clear_ibuf [dreg:s22], $0x2FFFF;
	_ =	strace $0x9FFFFFFF  }
0xd0: {  	(tm) =	ssettm $0x7FFFFFFF  }
0xd1: {  	_ =	shalt  }
tec
execute0_lowered:
.L_overlay_start_1:
0x0: {  	(tag) =	ssettag $0x1  }
0x1: {  	s7 =	rddreg [dreg:$0x0]  }
0x2: {  	s0 =	rddreg [dreg:$0x1];
	_ =	strace $0x8000004A  }
0x3: {  	s1 =	srdreg.scid;
	s4 =	simm.s32 $0x1;
	s9 =	simm.s32 $0x3  }
0x4: {  	s11 =	simm.s32 $0x0;
	p0 =	por $0x0, $0x0;
	s5 =	sshll.u32 s1, $0x4  }
.Ltmp0:
0x5: {  	s1 =	stileid.u32;
	s5 =	sand.u32 $0x10, s5;
	(pc) =	sbr.rel .LBB2_1-.Ltmp0, $4  }
0x6: {  	s2 =	sadd.s32 $0xD6200, s7;
	s3 =	sadd.s32 $0xB6600, s7;
	s6 =	sor.u32 s1, s5  }
0x7: {  	[sflag:s4] =	ssyncpa.u1 $0x0;
	s5 =	simm.s32 $0x2;
	s6 =	sshll.u32 s6, $0x6  }
0x8: {  	s7 =	sadd.s32 $0x516200, s7;
	[sflag:s5] =	ssyncpa.u1 $0x0;
	s8 =	sadd.s32 $0x40, s6  }
0x9: {  	vm0 =	vmmov $0xff;
	vm1 =	vcmask $0x3F20;
	[sflag:s9] =	ssyncpa.u1 $0x0;
	s10 =	smov.u32 s6;
	s9 =	simm.s32 $0x0  }
.LBB2_9:
0xa: {  	p1 =	slt.u32 s9, $0x2;
	s11 =	sadd.s32 $0x20, s10  }
0xb: {  	s13 =	smov.u32 s6;
	s9 =	sadd.s32 $0x1, s9;
	p2 =	slt.s32 s11, s8  }
0xc: {  	s13 =	smov.u32 @p2 s11;
	p2 =	sne.s32 s9, $0x4  }
.Ltmp1:
0xd: {  	_ = 	snop;
	(pc) =	sbr.rel @!p2 .LBB2_10-.Ltmp1, $4  }
0xe: {  	s12 =	simm.s32 @!p1 $0x3  }
0xf: {  	_ =	swait.ge @!p1 [sflag:s12], $0x8000  }
0x10: {  	p0 =	por !p0, !p0;
	[sflag:s12] =	ssyncset.done @!p1 $0x0  }
0x11: {  	s11 =	smov.u32 s10;
	s10 =	smov.u32 s13;
	[sflag:s12] =	ssyncadd.s32 @!p1 $0xFFFF8000  }
.LBB2_1:
0x12: {  	p1 =	sgt.u32 s9, $0x1  }
0x13: {  	s12 =	sshll.u32 @!p1 s9, $0x5;
	s13 =	sshrl.u32 @!p1 s10, $0x3  }
0x14: {  	s14 =	sand.u32 @!p1 $0x7, s10;
	s12 =	sxor.u32 @!p1 $0x20, s12;
	s13 =	sadd.s32 @!p1 s3, s13  }
0x15: {  	[tilespmem:s12], [sflag:$0x2] =	stream.linear.gather @!p1 [hbm4b:s13+s14], $0x20, $0x38;
	[tilespmem:$0x10040] =	vst v63  }
0x16: {  	p1 =	seq.s32 s9, $0x0  }
0x17: {  	p2 =	seq.s32 @!p1 s9, $0x3  }
0x18: {  	p1 =	por p1, p2  }
.Ltmp2:
0x19: {  	_ = 	snop;
	(pc) =	sbr.rel @p1 .LBB2_9-.Ltmp2, $1  }
0x1a: {  	_ =	sdelay $0x3  }
0x1b: {  	s12 =	simm.s32 $0x1  }
0x1c: {  	_ =	swait.ge [sflag:s5], $0x20;
	s13 =	sand.u32 $0x1, s9;
	s12 =	simm.s32 @!p0 $0x0  }
0x1d: {  	s15 =	simm.s32 $0x0;
	p2 =	por $0x1, $0x1;
	s12 =	sshll.u32 s12, $0x11  }
0x1e: {  	[sflag:s5] =	ssyncset.done $0x0;
	s13 =	sshll.u32 s13, $0x5;
	s14 =	sshrl.u32 s12, $0x2  }
0x1f: {  	[sflag:s5] =	ssyncadd.s32 $0xFFFFFFE0;
	s12 =	sor.u32 $0x40, s14;
	s14 =	sadd.s32 $0x40, s14  }
.LBB2_3:
0x20: {  	s16 =	sshll.u32 s15, $0x4  }
0x21: {  	s16 =	sand.u32 $0x3FFFFFF0, s16  }
0x22: {  	s16 =	sadd.s32 s16, s13  }
0x23: {  	v0 =	vld.msk [tilespmem:s16+$0x0 ss:$0x1], $0xffff;
	_ =	sdelay $0x4  }
0x24: {  	vm2 =	vgt.s32 v0, $0x0  }
0x25: {  	v0 =	vnsel vm2, $0x0, v0  }
0x26: {  	v0 =	vmin.u32 v0, $0x17FF  }
0x27: {  	v1 =	vshll.u32 v0, $0x7;
	v0 =	vshll.u32 v0, $0x4  }
0x28: {  	v1 =	vand.u32 $0xFFC00, v1;
	v0 =	vand.u32 $0x70, v0  }
0x29: {  	v0 =	vor.u32 v0, v1  }
0x2a: {  	s31 =	sshll.u32 s15, $0x10  }
0x2b: {  	s15 =	sshra.s32 s31, $0x2  }
0x2c: {  	s15 =	sadd.s32 s15, s14  }
0x2d: {  	s17 =	sadd.s32 $0x0, s15  }
0x2e: {  	[tilespmem:s17], [sflag:$0x1] =	stream.indirect_vreg.gather [hbm:s2], $0x80, v0, vm0, $0x38;
	[tilespmem:$0x10040] =	vst v63  }
0x2f: {  	p1 =	por p2, p2;
	s16 =	simm.s32 $0x1000;
	v1 =	vadd.s32 $0x80, v0;
	s17 =	sadd.s32 $0x2000, s17  }
.LBB2_4:
0x30: {  	[tilespmem:s17], [sflag:$0x1] =	stream.indirect_vreg.gather [hbm:s2], $0x80, v0, vm1, $0x38;
	[tilespmem:$0x10040] =	vst v63  }
0x31: {  	v0 =	vmov v1;
	s17 =	smov.u32 s16;
	p2 =	sne.s32 s16, $0x7000  }
.Ltmp3:
0x32: {  	s16 =	sadd.s32 $0x1000, s16;
	(pc) =	sbr.rel @p2 .LBB2_4-.Ltmp3, $4  }
0x33: {  	s17 =	sshra.s32 s17, $0x2  }
0x34: {  	s17 =	sadd.s32 s17, s15  }
0x35: {  	[tilespmem:s17], [sflag:$0x1] =	stream.indirect_vreg.gather [hbm:s2], $0x80, v1, vm0, $0x38;
	[tilespmem:$0x10040] =	vst v63  }
0x36: {  	s17 =	sadd.s32 $0x2000, s17;
	v1 =	vadd.s32 $0x80, v1  }
0x37: {  	_ = 	snop  }
.Ltmp4:
0x38: {  	_ = 	snop;
	(pc) =	sbr.rel @p1 .LBB2_3-.Ltmp4, $3  }
0x39: {  	_ =	sdelay $0x1  }
0x3a: {  	[tilespmem:s17], [sflag:$0x1] =	stream.indirect_vreg.gather [hbm:s2], $0x80, v0, vm1, $0x38;
	[tilespmem:$0x10040] =	vst v63  }
0x3b: {  	s15 =	simm.s32 $0x1;
	p2 =	por $0x0, $0x0  }
0x3c: {  	s13 =	sshll.u32 s11, $0x7  }
0x3d: {  	s31 =	sshll.u32 s11, $0x4;
	s13 =	sand.u32 $0xFFFFFC00, s13  }
0x3e: {  	_ =	swait.ge [sflag:s4], $0x8000;
	s11 =	sand.u32 $0x70, s31;
	s13 =	sadd.s32 s13, s7  }
0x3f: {  	s14 =	sadd.s32 $0x2000, s12;
	[sflag:s4] =	ssyncset.done $0x0;
	s11 =	sadd.s32 s11, s13  }
0x40: {  	[sflag:s4] =	ssyncadd.s32 $0xFFFF8000;
	s13 =	simm.s32 $0x400;
	s15 =	sadd.s32 $0x0, s11  }
.LBB2_7:
0x41: {  	[hbm:s15] =	stream.linear.scatter [tilespmem:s12], [sflag:$0x3], $0x2000, $0x38;
	[tilespmem:$0x10040] =	vst v63  }
0x42: {  	s15 =	smov.u32 s13;
	s12 =	smov.u32 s14;
	p1 =	sne.s32 s13, $0xC00  }
.Ltmp5:
0x43: {  	s13 =	sadd.s32 $0x400, s13;
	(pc) =	sbr.rel @p1 .LBB2_7-.Ltmp5, $2  }
0x44: {  	_ =	sdelay $0x2  }
0x45: {  	s14 =	sadd.s32 $0x2000, s14;
	s15 =	sadd.s32 s15, s11  }
.Ltmp6:
0x46: {  	(pc) =	sbr.rel .LBB2_9-.Ltmp6, $2  }
0x47: {  	_ =	sdelay $0x2  }
0x48: {  	[hbm:s15] =	stream.linear.scatter [tilespmem:s12], [sflag:$0x3], $0x2000, $0x38;
	[tilespmem:$0x10040] =	vst v63  }
.LBB2_10:
0x49: {  	_ =	sfence.sel $0x180000  }
0x4a: {  	s2 =	simm.s32 $0x2;
	[bflag:$0x0] =	sbarrier.arrive $0xFFFF  }
0x4b: {  	s30 =	simm.s32 $0x3;
	[sflag:s2] =	ssyncpa.u1 $0x1  }
0x4c: {  	s31 =	simm.s32 $0x1;
	[sflag:s30] =	ssyncpa.u1 $0x1  }
0x4d: {  	[sflag:s31] =	ssyncpa.u1 $0x1  }
0x4e: {  	p0 =	sne.s32 s1, $0x0;
	_ =	strace $0x9000004A  }
0x4f: {  	s0 =	sadd.s32 @!p0 $0x100000, s0;
	[bflag:$0x2] =	sbarrier.arrive $0xFFFF  }
0x50: {  	[sflag:s0] =	ssyncadd.tile.s32 @!p0 $0x1;
	_ =	shalt  }
.Lfunc_end2:
_tile_overlayer_lowered:
.L_overlay_start_2:
0x51: {  	(tag) =	ssettag $0x2  }
0x52: {  	s0 =	rddreg [dreg:$0x0];
	s2 =	stileid.u32  }
0x53: {  	s1 =	rddreg [dreg:$0x1];
	p0 =	sne.s32 s2, $0x0  }
0x54: {  	s3 =	rddreg [dreg:$0x2];
	[bflag:$0x3] =	sbarrier.arrive $0xFFFF;
	s2 =	simm.s32 @!p0 $0x1C01  }
0x55: {  	[timem:s3], [sflag:s2] =	dma.local @!p0 [hbm:s0], s1  }
0x56: {  	s0 =	simm.s32 @!p0 $0x1  }
0x57: {  	_ =	swait.ge @!p0 [sflag:s0], s1  }
0x58: {  	s1 =	ssub.s32 @!p0 $0x0, s1;
	[sflag:s0] =	ssyncset.done @!p0 $0x0  }
0x59: {  	[sflag:s0] =	ssyncadd.s32 @!p0 s1  }
0x5a: {  	[bflag:$0x3] =	sbarrier.arrive $0xFFFF  }
0x5b: {  	_ =	shalt  }

// kernel: gather_offload_async_start.2
scs
__scs_entry_jumppad:
0x0: {  	(pc) =	sbr.rel $0x88, $3  }
0x1: {  	(tag) =	ssettag $0x0;
	lr =	simm.s32 $0x1  }
0x2: {  	[smem:$0x3F86] =	sst lr;
	_ =	strace $0xD0000000  }
0x3: {  	_ = 	snop  }
0x4: {  	_ = 	snop  }
0x5: {  	_ = 	snop  }
0x6: {  	_ = 	snop  }
0x7: {  	_ = 	snop  }
__scs_overlays_trampoline_lowered:
0x8: {  	[smem:$0x3F95] =	sst s0  }
0x9: {  	[smem:$0x3F96] =	sst s1  }
0xa: {  	[smem:$0x3F97] =	sst s2  }
0xb: {  	[smem:$0x3F98] =	sst s3  }
0xc: {  	[smem:$0x3F99] =	sst s4  }
0xd: {  	[smem:$0x3F9A] =	sst s5  }
0xe: {  	[smem:$0x3F9B] =	sst s6  }
0xf: {  	[smem:$0x3F9C] =	sst s7  }
0x10: {  	[smem:$0x3F9D] =	sst s8  }
0x11: {  	[smem:$0x3F9E] =	sst s9;
	s0 =	simm.s32 @!p0 $0x0  }
0x12: {  	s1 =	sld [smem:$0x3F84];
	s0 =	simm.s32 @p0 $0x1  }
0x13: {  	[smem:$0x3F9F] =	sst s0;
	s0 =	simm.s32 @!p1 $0x0  }
0x14: {  	s2 =	sld [smem:$0x3F83];
	s0 =	simm.s32 @p1 $0x1  }
0x15: {  	[smem:$0x3FA0] =	sst s0;
	s0 =	simm.s32 @!p2 $0x0  }
0x16: {  	s3 =	sld [smem:$0x3FDB];
	s0 =	simm.s32 @p2 $0x1  }
0x17: {  	s4 =	simm.s32 $0x1BF5;
	[smem:$0x3FA2] =	sst s0  }
0x18: {  	s0 =	sld [smem:$0x3F85];
	_ =	swait.ge [sflag:s4], $0x0  }
0x19: {  	s7 =	sld [smem:$0x3F86]  }
0x1a: {  	s8 =	sadd.s32 $0xFFFFE003, lr  }
0x1b: {  	s9 =	sadd.s32 $0xFFFFFEF7, lr;
	s5 =	simm.s32 $0xFFFFFFFF;
	p2 =	slt.u32 s8, $0xFFFFF086  }
0x1c: {  	p1 =	slt.u32 s9, $0xF7A;
	s5 =	simm.s32 @!p2 $0x0  }
0x1d: {  	s5 =	simm.s32 @p1 $0x1;
	p0 =	seq.s32 s7, s2  }
0x1e: {  	s7 =	smul.u32 @!p0 $0xF7A, s2;
	p2 =	seq.s32 @!p0 s5, $0x0  }
0x1f: {  	s9 =	smul.u32 $0xF7A, s1;
	s8 =	simm.s32 @!p0 $0x1BF5;
	p2 =	por !p2, p0  }
0x20: {  	[sflag:s8] =	ssyncset.s32 @!p0 $0xFFFFF086;
	s6 =	sadd.s32 @!p0 s3, s7;
	s7 =	simm.s32 @!p0 $0x108  }
0x21: {  	s3 =	sadd.s32 s3, s9;
	s6 =	sadd.s32 @!p0 $0x88, s6;
	s7 =	simm.s32 @p2 $0x1082  }
0x22: {  	[simem:s7], [sflag:s8] =	dma.local @!p0 [hbm:s6], $0xF7A  }
0x23: {  	s9 =	sor.u32 $0xD0000000, s2;
	s6 =	simm.s32 $0x108;
	_ =	swait.ge @!p0 [sflag:s8], $0x0  }
0x24: {  	s3 =	sadd.s32 $0x88, s3;
	s6 =	simm.s32 @!p1 $0x1082;
	[sflag:s4] =	ssyncset.s32 $0xFFFFF086  }
0x25: {  	[simem:s6], [sflag:s4] =	dma.local [hbm:s3], $0xF7A  }
0x26: {  	[smem:$0x3F86] =	sst s1;
	(tag) =	ssettag s2;
	_ =	strace s9  }
0x27: {  	s1 =	sld [smem:$0x3F96]  }
0x28: {  	s2 =	sld [smem:$0x3F97]  }
0x29: {  	s4 =	sld [smem:$0x3F99]  }
0x2a: {  	p0 =	seq.s32 s5, $0x0;
	s5 =	sld [smem:$0x3F9A]  }
0x2b: {  	s6 =	sld [smem:$0x3F9B]  }
0x2c: {  	s7 =	sld [smem:$0x3F9C]  }
0x2d: {  	s3 =	simm.s32 $0x108;
	s8 =	sld [smem:$0x3F9D]  }
0x2e: {  	s3 =	simm.s32 @!p0 $0x1082;
	s9 =	sld [smem:$0x3F9E]  }
0x2f: {  	lr =	sadd.s32 s0, s3;
	s0 =	sld [smem:$0x3F95]  }
0x30: {  	s3 =	sld [smem:$0x3F98]  }
0x31: {  	[smem:$0x3FA1] =	sst s10  }
0x32: {  	s10 =	sld [smem:$0x3F9F];
	_ =	sdelay $0x3  }
0x33: {  	p0 =	seq.s32 s10, $0x1;
	s10 =	sld [smem:$0x3FA1];
	_ =	sdelay $0x3  }
0x34: {  	[smem:$0x3FA1] =	sst s10  }
0x35: {  	s10 =	sld [smem:$0x3FA0];
	_ =	sdelay $0x3  }
0x36: {  	p1 =	seq.s32 s10, $0x1;
	s10 =	sld [smem:$0x3FA1];
	_ =	sdelay $0x3  }
0x37: {  	[smem:$0x3FA1] =	sst s10  }
0x38: {  	s10 =	sld [smem:$0x3FA2]  }
0x39: {  	_ = 	snop;
	(pc) =	sbr.ind lr, $3  }
0x3a: {  	_ = 	snop  }
0x3b: {  	_ = 	snop  }
0x3c: {  	p2 =	seq.s32 s10, $0x1;
	s10 =	sld [smem:$0x3FA1]  }
0x3d: {  	_ =	shalt  }
0x3e: {  	_ =	shalt  }
0x3f: {  	_ =	shalt  }
0x40: {  	_ =	shalt  }
0x41: {  	_ =	shalt  }
0x42: {  	_ =	shalt  }
0x43: {  	_ =	shalt  }
0x44: {  	_ =	shalt  }
0x45: {  	_ =	shalt  }
0x46: {  	_ =	shalt  }
0x47: {  	_ =	shalt  }
0x48: {  	_ =	shalt  }
0x49: {  	_ =	shalt  }
0x4a: {  	_ =	shalt  }
0x4b: {  	_ =	shalt  }
0x4c: {  	_ =	shalt  }
0x4d: {  	_ =	shalt  }
0x4e: {  	_ =	shalt  }
0x4f: {  	_ =	shalt  }
0x50: {  	_ =	shalt  }
0x51: {  	_ =	shalt  }
0x52: {  	_ =	shalt  }
0x53: {  	_ =	shalt  }
0x54: {  	_ =	shalt  }
0x55: {  	_ =	shalt  }
0x56: {  	_ =	shalt  }
0x57: {  	_ =	shalt  }
0x58: {  	_ =	shalt  }
0x59: {  	_ =	shalt  }
0x5a: {  	_ =	shalt  }
0x5b: {  	_ =	shalt  }
0x5c: {  	_ =	shalt  }
0x5d: {  	_ =	shalt  }
0x5e: {  	_ =	shalt  }
0x5f: {  	_ =	shalt  }
0x60: {  	_ =	shalt  }
0x61: {  	_ =	shalt  }
0x62: {  	_ =	shalt  }
0x63: {  	_ =	shalt  }
0x64: {  	_ =	shalt  }
0x65: {  	_ =	shalt  }
0x66: {  	_ =	shalt  }
0x67: {  	_ =	shalt  }
0x68: {  	_ =	shalt  }
0x69: {  	_ =	shalt  }
0x6a: {  	_ =	shalt  }
0x6b: {  	_ =	shalt  }
0x6c: {  	_ =	shalt  }
0x6d: {  	_ =	shalt  }
0x6e: {  	_ =	shalt  }
0x6f: {  	_ =	shalt  }
0x70: {  	_ =	shalt  }
0x71: {  	_ =	shalt  }
0x72: {  	_ =	shalt  }
0x73: {  	_ =	shalt  }
0x74: {  	_ =	shalt  }
0x75: {  	_ =	shalt  }
0x76: {  	_ =	shalt  }
0x77: {  	_ =	shalt  }
0x78: {  	_ =	shalt  }
0x79: {  	_ =	shalt  }
0x7a: {  	_ =	shalt  }
0x7b: {  	_ =	shalt  }
0x7c: {  	_ =	shalt  }
0x7d: {  	_ =	shalt  }
0x7e: {  	_ =	shalt  }
0x7f: {  	_ =	shalt  }
0x80: {  	_ =	shalt  }
0x81: {  	_ =	shalt  }
0x82: {  	_ =	shalt  }
0x83: {  	_ =	shalt  }
0x84: {  	_ =	shalt  }
0x85: {  	_ =	shalt  }
0x86: {  	_ =	shalt  }
0x87: {  	_ =	shalt  }
.Lfunc_end0:
.L_simem_size_0:
called_computation.2_lowered:
.L_overlay_start_0:
0x88: {  	s2 =	sld [smem:$0x3FD9]  }
0x89: {  	s3 =	sld [smem:$0x3FFE];
	_ =	sdelay $0x1  }
0x8a: {  	s1 =	srdreg.scid  }
0x8b: {  	s0 =	sand.u32 $0x1, s1  }
0x8c: {  	s16 =	sshll.u32 s0, $0xA;
	s2 =	sadd.s32 s3, s2  }
0x8d: {  	s2 =	sadd.s32 s2, s16  }
0x8e: {  	[smem:$0x3FAD] =	sst s2  }
0x8f: {  	_ = 	snop  }
0x90: {  	(tm) =	ssettm $0x1  }
0x91: {  	s17 =	sld [smem:$0x3FFB];
	_ =	sdelay $0x3  }
0x92: {  	_ =	strace s17  }
0x93: {  	s2 =	sld [smem:$0x3FFC];
	_ =	sdelay $0x3  }
0x94: {  	_ =	strace s2  }
0x95: {  	s2 =	sld [smem:$0x3FFD];
	_ =	sdelay $0x3  }
0x96: {  	_ =	strace s2  }
0x97: {  	_ =	strace $0x8FFFFFFF  }
0x98: {  	s18 =	sld [smem:$0x3FDB];
	_ =	sdelay $0x1  }
0x99: {  	s19 =	simm.s32 $_scs_section_size  }
0x9a: {  	s4 =	simm.s32 $_size__tile_overlayer_lowered;
	s5 =	simm.s32 $_tile_overlayer_lowered  }
0x9b: {  	s22 =	simm.s32 $0x1BFF;
	s21 =	sshll.u32 s5, $0x1;
	s2 =	sadd.s32 s19, s18  }
0x9c: {  	s6 =	simm.s32 $0x0;
	s20 =	sshll.u32 s4, $0x1;
	s4 =	sadd.s32 s21, s2  }
0x9d: {  	[timem:s6], [sflag:s22] =	dma.local [hbm:s4], s20  }
0x9e: {  	_ =	swait.ge [sflag:s22], s20  }
0x9f: {  	s3 =	ssub.s32 $0x0, s20;
	[sflag:s22] =	ssyncset.done $0x0  }
0xa0: {  	[sflag:s22] =	ssyncadd.s32 s3;
	_ =	sdelay $0x1  }
0xa1: {  	s23 =	simm.s32 $0x1B8B  }
0xa2: {  	_ =	swait.ge [sflag:s23], $0x1  }
0xa3: {  	[sflag:s23] =	ssyncset.done $0x0  }
0xa4: {  	s25 =	simm.s32 $0x1B8E;
	s24 =	sld [smem:$0x3FFE];
	[sflag:s23] =	ssyncadd.s32 $0xFFFFFFFF  }
0xa5: {  	s26 =	simm.s32 $execute0_lowered;
	[smem:$0x3FD2] =	sst s25  }
0xa6: {  	s4 =	sshll.u32 s26, $0x1;
	_ =	strace $0x8000004C;
	[dreg:$0x1] =	wrdreg $0xFFFFFFFF  }
0xa7: {  	s28 =	simm.s32 $_size_execute0_lowered;
	s2 =	sadd.s32 s2, s4;
	[dreg:$0x0] =	wrdreg $0x0  }
0xa8: {  	s4 =	sshll.u32 s28, $0x1;
	[dreg:$0x2] =	wrdreg s2  }
0xa9: {  	[dreg:$0x3] =	wrdreg s4  }
0xaa: {  	[dreg:$0x4] =	wrdreg $0xC0  }
0xab: {  	_ =	task [dreg:s6], $0x5FFFF  }
0xac: {  	[dreg:$0x1] =	wrdreg $0xFFFFFFFF  }
0xad: {  	[dreg:$0x0] =	wrdreg $0x60  }
0xae: {  	[dreg:$0x2] =	wrdreg s24  }
0xaf: {  	[dreg:$0x3] =	wrdreg $0x9  }
0xb0: {  	_ =	task.clear_ibuf [dreg:s6], $0x4FFFF;
	_ =	strace $0x9000004C  }
0xb1: {  	s29 =	simm.s32 $0x9;
	_ =	strace $0x8000004E  }
0xb2: {  	_ =	swait.ge [sflag:s29], $0x1  }
0xb3: {  	[sflag:s29] =	ssyncadd.s32 $0xFFFFFFFF  }
0xb4: {  	_ =	strace $0x9000004E  }
0xb5: {  	_ =	sfence  }
0xb6: {  	s30 =	sld [smem:$0x0];
	_ =	sdelay $0x2  }
0xb7: {  	s31 =	sshll.u32 s1, $0xD;
	s1 =	sshrl.u32 s1, $0x2  }
0xb8: {  	s3 =	sand.u32 $0x4000, s31;
	s1 =	sadd.s32 s1, s30  }
0xb9: {  	s0 =	sor.u32 s3, s0;
	s1 =	sshll.u32 s1, $0x11  }
0xba: {  	s0 =	sor.u32 s1, s0  }
0xbb: {  	s0 =	sadd.s32 $0x8F2B, s0  }
0xbc: {  	[sflag:s0] =	ssyncadd.remote.s32 $0x1  }
0xbd: {  	_ =	sfence.sel $0xFFFF  }
0xbe: {  	[dreg:$0x0] =	wrdreg $0xFFFFFFFF;
	(pc) =	sbr.abs _section_cstart, $3  }
0xbf: {  	[dreg:$0x1] =	wrdreg $0xFFFFFFFF  }
0xc0: {  	_ =	task.clear_ibuf [dreg:s6], $0x2FFFF;
	_ =	strace $0x9FFFFFFF  }
0xc1: {  	(tm) =	ssettm $0x7FFFFFFF  }
tec
execute0_lowered:
.L_overlay_start_1:
0x0: {  	(tag) =	ssettag $0x1  }
0x1: {  	s7 =	rddreg [dreg:$0x0]  }
0x2: {  	s0 =	rddreg [dreg:$0x1];
	_ =	strace $0x8000004D  }
0x3: {  	s1 =	srdreg.scid;
	s4 =	simm.s32 $0x1;
	s9 =	simm.s32 $0x3  }
0x4: {  	s11 =	simm.s32 $0x0;
	p0 =	por $0x0, $0x0;
	s5 =	sshll.u32 s1, $0x4  }
.Ltmp0:
0x5: {  	s1 =	stileid.u32;
	s5 =	sand.u32 $0x10, s5;
	(pc) =	sbr.rel .LBB2_1-.Ltmp0, $4  }
0x6: {  	s2 =	sadd.s32 $0x4D6200, s7;
	s3 =	sadd.s32 $0xA5E00, s7;
	s6 =	sor.u32 s1, s5  }
0x7: {  	[sflag:s4] =	ssyncpa.u1 $0x0;
	s5 =	simm.s32 $0x2;
	s6 =	sshll.u32 s6, $0x6  }
0x8: {  	s7 =	sadd.s32 $0xB6600, s7;
	[sflag:s5] =	ssyncpa.u1 $0x0;
	s8 =	sadd.s32 $0x40, s6  }
0x9: {  	vm0 =	vmmov $0xff;
	vm1 =	vcmask $0x3F20;
	[sflag:s9] =	ssyncpa.u1 $0x0;
	s10 =	smov.u32 s6;
	s9 =	simm.s32 $0x0  }
.LBB2_9:
0xa: {  	p1 =	slt.u32 s9, $0x2;
	s11 =	sadd.s32 $0x20, s10  }
0xb: {  	s13 =	smov.u32 s6;
	s9 =	sadd.s32 $0x1, s9;
	p2 =	slt.s32 s11, s8  }
0xc: {  	s13 =	smov.u32 @p2 s11;
	p2 =	sne.s32 s9, $0x4  }
.Ltmp1:
0xd: {  	_ = 	snop;
	(pc) =	sbr.rel @!p2 .LBB2_10-.Ltmp1, $4  }
0xe: {  	s12 =	simm.s32 @!p1 $0x3  }
0xf: {  	_ =	swait.ge @!p1 [sflag:s12], $0x8000  }
0x10: {  	p0 =	por !p0, !p0;
	[sflag:s12] =	ssyncset.done @!p1 $0x0  }
0x11: {  	s11 =	smov.u32 s10;
	s10 =	smov.u32 s13;
	[sflag:s12] =	ssyncadd.s32 @!p1 $0xFFFF8000  }
.LBB2_1:
0x12: {  	p1 =	sgt.u32 s9, $0x1  }
0x13: {  	s12 =	sshll.u32 @!p1 s9, $0x5;
	s13 =	sshrl.u32 @!p1 s10, $0x3  }
0x14: {  	s14 =	sand.u32 @!p1 $0x7, s10;
	s12 =	sxor.u32 @!p1 $0x20, s12;
	s13 =	sadd.s32 @!p1 s3, s13  }
0x15: {  	[tilespmem:s12], [sflag:$0x2] =	stream.linear.gather @!p1 [hbm4b:s13+s14], $0x20, $0x38;
	[tilespmem:$0x10040] =	vst v63  }
0x16: {  	p1 =	seq.s32 s9, $0x0  }
0x17: {  	p2 =	seq.s32 @!p1 s9, $0x3  }
0x18: {  	p1 =	por p1, p2  }
.Ltmp2:
0x19: {  	_ = 	snop;
	(pc) =	sbr.rel @p1 .LBB2_9-.Ltmp2, $1  }
0x1a: {  	_ =	sdelay $0x3  }
0x1b: {  	s12 =	simm.s32 $0x1  }
0x1c: {  	_ =	swait.ge [sflag:s5], $0x20;
	s13 =	sand.u32 $0x1, s9;
	s12 =	simm.s32 @!p0 $0x0  }
0x1d: {  	s15 =	simm.s32 $0x0;
	p2 =	por $0x1, $0x1;
	s12 =	sshll.u32 s12, $0x11  }
0x1e: {  	[sflag:s5] =	ssyncset.done $0x0;
	s13 =	sshll.u32 s13, $0x5;
	s14 =	sshrl.u32 s12, $0x2  }
0x1f: {  	[sflag:s5] =	ssyncadd.s32 $0xFFFFFFE0;
	s12 =	sor.u32 $0x40, s14;
	s14 =	sadd.s32 $0x40, s14  }
.LBB2_3:
0x20: {  	s16 =	sshll.u32 s15, $0x4  }
0x21: {  	s16 =	sand.u32 $0x3FFFFFF0, s16  }
0x22: {  	s16 =	sadd.s32 s16, s13  }
0x23: {  	v0 =	vld.msk [tilespmem:s16+$0x0 ss:$0x1], $0xffff;
	_ =	sdelay $0x4  }
0x24: {  	vm2 =	vgt.s32 v0, $0x0  }
0x25: {  	v0 =	vnsel vm2, $0x0, v0  }
0x26: {  	v0 =	vmin.u32 v0, $0x17FF  }
0x27: {  	v1 =	vshll.u32 v0, $0x7;
	v0 =	vshll.u32 v0, $0x4  }
0x28: {  	v1 =	vand.u32 $0xFFC00, v1;
	v0 =	vand.u32 $0x70, v0  }
0x29: {  	v0 =	vor.u32 v0, v1  }
0x2a: {  	s31 =	sshll.u32 s15, $0x10  }
0x2b: {  	s15 =	sshra.s32 s31, $0x2  }
0x2c: {  	s15 =	sadd.s32 s15, s14  }
0x2d: {  	s17 =	sadd.s32 $0x0, s15  }
0x2e: {  	[tilespmem:s17], [sflag:$0x1] =	stream.indirect_vreg.gather [hbm:s2], $0x80, v0, vm0, $0x38;
	[tilespmem:$0x10040] =	vst v63  }
0x2f: {  	p1 =	por p2, p2;
	s16 =	simm.s32 $0x1000;
	v1 =	vadd.s32 $0x80, v0;
	s17 =	sadd.s32 $0x2000, s17  }
.LBB2_4:
0x30: {  	[tilespmem:s17], [sflag:$0x1] =	stream.indirect_vreg.gather [hbm:s2], $0x80, v0, vm1, $0x38;
	[tilespmem:$0x10040] =	vst v63  }
0x31: {  	v0 =	vmov v1;
	s17 =	smov.u32 s16;
	p2 =	sne.s32 s16, $0x7000  }
.Ltmp3:
0x32: {  	s16 =	sadd.s32 $0x1000, s16;
	(pc) =	sbr.rel @p2 .LBB2_4-.Ltmp3, $4  }
0x33: {  	s17 =	sshra.s32 s17, $0x2  }
0x34: {  	s17 =	sadd.s32 s17, s15  }
0x35: {  	[tilespmem:s17], [sflag:$0x1] =	stream.indirect_vreg.gather [hbm:s2], $0x80, v1, vm0, $0x38;
	[tilespmem:$0x10040] =	vst v63  }
0x36: {  	s17 =	sadd.s32 $0x2000, s17;
	v1 =	vadd.s32 $0x80, v1  }
0x37: {  	_ = 	snop  }
.Ltmp4:
0x38: {  	_ = 	snop;
	(pc) =	sbr.rel @p1 .LBB2_3-.Ltmp4, $3  }
0x39: {  	_ =	sdelay $0x1  }
0x3a: {  	[tilespmem:s17], [sflag:$0x1] =	stream.indirect_vreg.gather [hbm:s2], $0x80, v0, vm1, $0x38;
	[tilespmem:$0x10040] =	vst v63  }
0x3b: {  	s15 =	simm.s32 $0x1;
	p2 =	por $0x0, $0x0  }
0x3c: {  	s13 =	sshll.u32 s11, $0x7  }
0x3d: {  	s31 =	sshll.u32 s11, $0x4;
	s13 =	sand.u32 $0xFFFFFC00, s13  }
0x3e: {  	_ =	swait.ge [sflag:s4], $0x8000;
	s11 =	sand.u32 $0x70, s31;
	s13 =	sadd.s32 s13, s7  }
0x3f: {  	s14 =	sadd.s32 $0x2000, s12;
	[sflag:s4] =	ssyncset.done $0x0;
	s11 =	sadd.s32 s11, s13  }
0x40: {  	[sflag:s4] =	ssyncadd.s32 $0xFFFF8000;
	s13 =	simm.s32 $0x400;
	s15 =	sadd.s32 $0x0, s11  }
.LBB2_7:
0x41: {  	[hbm:s15] =	stream.linear.scatter [tilespmem:s12], [sflag:$0x3], $0x2000, $0x38;
	[tilespmem:$0x10040] =	vst v63  }
0x42: {  	s15 =	smov.u32 s13;
	s12 =	smov.u32 s14;
	p1 =	sne.s32 s13, $0xC00  }
.Ltmp5:
0x43: {  	s13 =	sadd.s32 $0x400, s13;
	(pc) =	sbr.rel @p1 .LBB2_7-.Ltmp5, $2  }
0x44: {  	_ =	sdelay $0x2  }
0x45: {  	s14 =	sadd.s32 $0x2000, s14;
	s15 =	sadd.s32 s15, s11  }
.Ltmp6:
0x46: {  	(pc) =	sbr.rel .LBB2_9-.Ltmp6, $2  }
0x47: {  	_ =	sdelay $0x2  }
0x48: {  	[hbm:s15] =	stream.linear.scatter [tilespmem:s12], [sflag:$0x3], $0x2000, $0x38;
	[tilespmem:$0x10040] =	vst v63  }
.LBB2_10:
0x49: {  	_ =	sfence.sel $0x180000  }
0x4a: {  	s2 =	simm.s32 $0x2;
	[bflag:$0x0] =	sbarrier.arrive $0xFFFF  }
0x4b: {  	s30 =	simm.s32 $0x3;
	[sflag:s2] =	ssyncpa.u1 $0x1  }
0x4c: {  	s31 =	simm.s32 $0x1;
	[sflag:s30] =	ssyncpa.u1 $0x1  }
0x4d: {  	[sflag:s31] =	ssyncpa.u1 $0x1  }
0x4e: {  	p0 =	sne.s32 s1, $0x0;
	_ =	strace $0x9000004D  }
0x4f: {  	s0 =	sadd.s32 @!p0 $0x100000, s0;
	[bflag:$0x2] =	sbarrier.arrive $0xFFFF  }
0x50: {  	[sflag:s0] =	ssyncadd.tile.s32 @!p0 $0x1;
	_ =	shalt  }
.Lfunc_end2:
_tile_overlayer_lowered:
.L_overlay_start_2:
0x51: {  	(tag) =	ssettag $0x2  }
0x52: {  	s0 =	rddreg [dreg:$0x0];
	s2 =	stileid.u32  }
0x53: {  	s1 =	rddreg [dreg:$0x1];
	p0 =	sne.s32 s2, $0x0  }
0x54: {  	s3 =	rddreg [dreg:$0x2];
	[bflag:$0x3] =	sbarrier.arrive $0xFFFF;
	s2 =	simm.s32 @!p0 $0x1C01  }
0x55: {  	[timem:s3], [sflag:s2] =	dma.local @!p0 [hbm:s0], s1  }
0x56: {  	s0 =	simm.s32 @!p0 $0x1  }
0x57: {  	_ =	swait.ge @!p0 [sflag:s0], s1  }
0x58: {  	s1 =	ssub.s32 @!p0 $0x0, s1;
	[sflag:s0] =	ssyncset.done @!p0 $0x0  }
0x59: {  	[sflag:s0] =	ssyncadd.s32 @!p0 s1  }
0x5a: {  	[bflag:$0x3] =	sbarrier.arrive $0xFFFF  }
0x5b: {  	_ =	shalt  }

// kernel: gather_offload_async_start.3
scs
__scs_entry_jumppad:
0x0: {  	(pc) =	sbr.rel $0x88, $3  }
0x1: {  	(tag) =	ssettag $0x0;
	lr =	simm.s32 $0x1  }
0x2: {  	[smem:$0x3F86] =	sst lr;
	_ =	strace $0xD0000000  }
0x3: {  	_ = 	snop  }
0x4: {  	_ = 	snop  }
0x5: {  	_ = 	snop  }
0x6: {  	_ = 	snop  }
0x7: {  	_ = 	snop  }
__scs_overlays_trampoline_lowered:
0x8: {  	[smem:$0x3F95] =	sst s0  }
0x9: {  	[smem:$0x3F96] =	sst s1  }
0xa: {  	[smem:$0x3F97] =	sst s2  }
0xb: {  	[smem:$0x3F98] =	sst s3  }
0xc: {  	[smem:$0x3F99] =	sst s4  }
0xd: {  	[smem:$0x3F9A] =	sst s5  }
0xe: {  	[smem:$0x3F9B] =	sst s6  }
0xf: {  	[smem:$0x3F9C] =	sst s7  }
0x10: {  	[smem:$0x3F9D] =	sst s8  }
0x11: {  	[smem:$0x3F9E] =	sst s9;
	s0 =	simm.s32 @!p0 $0x0  }
0x12: {  	s1 =	sld [smem:$0x3F84];
	s0 =	simm.s32 @p0 $0x1  }
0x13: {  	[smem:$0x3F9F] =	sst s0;
	s0 =	simm.s32 @!p1 $0x0  }
0x14: {  	s2 =	sld [smem:$0x3F83];
	s0 =	simm.s32 @p1 $0x1  }
0x15: {  	[smem:$0x3FA0] =	sst s0;
	s0 =	simm.s32 @!p2 $0x0  }
0x16: {  	s3 =	sld [smem:$0x3FDB];
	s0 =	simm.s32 @p2 $0x1  }
0x17: {  	s4 =	simm.s32 $0x1BF5;
	[smem:$0x3FA2] =	sst s0  }
0x18: {  	s0 =	sld [smem:$0x3F85];
	_ =	swait.ge [sflag:s4], $0x0  }
0x19: {  	s7 =	sld [smem:$0x3F86]  }
0x1a: {  	s8 =	sadd.s32 $0xFFFFE003, lr  }
0x1b: {  	s9 =	sadd.s32 $0xFFFFFEF7, lr;
	s5 =	simm.s32 $0xFFFFFFFF;
	p2 =	slt.u32 s8, $0xFFFFF086  }
0x1c: {  	p1 =	slt.u32 s9, $0xF7A;
	s5 =	simm.s32 @!p2 $0x0  }
0x1d: {  	s5 =	simm.s32 @p1 $0x1;
	p0 =	seq.s32 s7, s2  }
0x1e: {  	s7 =	smul.u32 @!p0 $0xF7A, s2;
	p2 =	seq.s32 @!p0 s5, $0x0  }
0x1f: {  	s9 =	smul.u32 $0xF7A, s1;
	s8 =	simm.s32 @!p0 $0x1BF5;
	p2 =	por !p2, p0  }
0x20: {  	[sflag:s8] =	ssyncset.s32 @!p0 $0xFFFFF086;
	s6 =	sadd.s32 @!p0 s3, s7;
	s7 =	simm.s32 @!p0 $0x108  }
0x21: {  	s3 =	sadd.s32 s3, s9;
	s6 =	sadd.s32 @!p0 $0x88, s6;
	s7 =	simm.s32 @p2 $0x1082  }
0x22: {  	[simem:s7], [sflag:s8] =	dma.local @!p0 [hbm:s6], $0xF7A  }
0x23: {  	s9 =	sor.u32 $0xD0000000, s2;
	s6 =	simm.s32 $0x108;
	_ =	swait.ge @!p0 [sflag:s8], $0x0  }
0x24: {  	s3 =	sadd.s32 $0x88, s3;
	s6 =	simm.s32 @!p1 $0x1082;
	[sflag:s4] =	ssyncset.s32 $0xFFFFF086  }
0x25: {  	[simem:s6], [sflag:s4] =	dma.local [hbm:s3], $0xF7A  }
0x26: {  	[smem:$0x3F86] =	sst s1;
	(tag) =	ssettag s2;
	_ =	strace s9  }
0x27: {  	s1 =	sld [smem:$0x3F96]  }
0x28: {  	s2 =	sld [smem:$0x3F97]  }
0x29: {  	s4 =	sld [smem:$0x3F99]  }
0x2a: {  	p0 =	seq.s32 s5, $0x0;
	s5 =	sld [smem:$0x3F9A]  }
0x2b: {  	s6 =	sld [smem:$0x3F9B]  }
0x2c: {  	s7 =	sld [smem:$0x3F9C]  }
0x2d: {  	s3 =	simm.s32 $0x108;
	s8 =	sld [smem:$0x3F9D]  }
0x2e: {  	s3 =	simm.s32 @!p0 $0x1082;
	s9 =	sld [smem:$0x3F9E]  }
0x2f: {  	lr =	sadd.s32 s0, s3;
	s0 =	sld [smem:$0x3F95]  }
0x30: {  	s3 =	sld [smem:$0x3F98]  }
0x31: {  	[smem:$0x3FA1] =	sst s10  }
0x32: {  	s10 =	sld [smem:$0x3F9F];
	_ =	sdelay $0x3  }
0x33: {  	p0 =	seq.s32 s10, $0x1;
	s10 =	sld [smem:$0x3FA1];
	_ =	sdelay $0x3  }
0x34: {  	[smem:$0x3FA1] =	sst s10  }
0x35: {  	s10 =	sld [smem:$0x3FA0];
	_ =	sdelay $0x3  }
0x36: {  	p1 =	seq.s32 s10, $0x1;
	s10 =	sld [smem:$0x3FA1];
	_ =	sdelay $0x3  }
0x37: {  	[smem:$0x3FA1] =	sst s10  }
0x38: {  	s10 =	sld [smem:$0x3FA2]  }
0x39: {  	_ = 	snop;
	(pc) =	sbr.ind lr, $3  }
0x3a: {  	_ = 	snop  }
0x3b: {  	_ = 	snop  }
0x3c: {  	p2 =	seq.s32 s10, $0x1;
	s10 =	sld [smem:$0x3FA1]  }
0x3d: {  	_ =	shalt  }
0x3e: {  	_ =	shalt  }
0x3f: {  	_ =	shalt  }
0x40: {  	_ =	shalt  }
0x41: {  	_ =	shalt  }
0x42: {  	_ =	shalt  }
0x43: {  	_ =	shalt  }
0x44: {  	_ =	shalt  }
0x45: {  	_ =	shalt  }
0x46: {  	_ =	shalt  }
0x47: {  	_ =	shalt  }
0x48: {  	_ =	shalt  }
0x49: {  	_ =	shalt  }
0x4a: {  	_ =	shalt  }
0x4b: {  	_ =	shalt  }
0x4c: {  	_ =	shalt  }
0x4d: {  	_ =	shalt  }
0x4e: {  	_ =	shalt  }
0x4f: {  	_ =	shalt  }
0x50: {  	_ =	shalt  }
0x51: {  	_ =	shalt  }
0x52: {  	_ =	shalt  }
0x53: {  	_ =	shalt  }
0x54: {  	_ =	shalt  }
0x55: {  	_ =	shalt  }
0x56: {  	_ =	shalt  }
0x57: {  	_ =	shalt  }
0x58: {  	_ =	shalt  }
0x59: {  	_ =	shalt  }
0x5a: {  	_ =	shalt  }
0x5b: {  	_ =	shalt  }
0x5c: {  	_ =	shalt  }
0x5d: {  	_ =	shalt  }
0x5e: {  	_ =	shalt  }
0x5f: {  	_ =	shalt  }
0x60: {  	_ =	shalt  }
0x61: {  	_ =	shalt  }
0x62: {  	_ =	shalt  }
0x63: {  	_ =	shalt  }
0x64: {  	_ =	shalt  }
0x65: {  	_ =	shalt  }
0x66: {  	_ =	shalt  }
0x67: {  	_ =	shalt  }
0x68: {  	_ =	shalt  }
0x69: {  	_ =	shalt  }
0x6a: {  	_ =	shalt  }
0x6b: {  	_ =	shalt  }
0x6c: {  	_ =	shalt  }
0x6d: {  	_ =	shalt  }
0x6e: {  	_ =	shalt  }
0x6f: {  	_ =	shalt  }
0x70: {  	_ =	shalt  }
0x71: {  	_ =	shalt  }
0x72: {  	_ =	shalt  }
0x73: {  	_ =	shalt  }
0x74: {  	_ =	shalt  }
0x75: {  	_ =	shalt  }
0x76: {  	_ =	shalt  }
0x77: {  	_ =	shalt  }
0x78: {  	_ =	shalt  }
0x79: {  	_ =	shalt  }
0x7a: {  	_ =	shalt  }
0x7b: {  	_ =	shalt  }
0x7c: {  	_ =	shalt  }
0x7d: {  	_ =	shalt  }
0x7e: {  	_ =	shalt  }
0x7f: {  	_ =	shalt  }
0x80: {  	_ =	shalt  }
0x81: {  	_ =	shalt  }
0x82: {  	_ =	shalt  }
0x83: {  	_ =	shalt  }
0x84: {  	_ =	shalt  }
0x85: {  	_ =	shalt  }
0x86: {  	_ =	shalt  }
0x87: {  	_ =	shalt  }
.Lfunc_end0:
.L_simem_size_0:
called_computation.3_lowered:
.L_overlay_start_0:
0x88: {  	s2 =	sld [smem:$0x3FD9]  }
0x89: {  	s3 =	sld [smem:$0x3FFE];
	_ =	sdelay $0x1  }
0x8a: {  	s1 =	srdreg.scid  }
0x8b: {  	s0 =	sand.u32 $0x1, s1  }
0x8c: {  	s15 =	sshll.u32 s0, $0xA;
	s2 =	sadd.s32 s3, s2  }
0x8d: {  	s2 =	sadd.s32 s2, s15  }
0x8e: {  	[smem:$0x3FAD] =	sst s2  }
0x8f: {  	_ = 	snop  }
0x90: {  	s2 =	sld [smem:$0x3FD0];
	_ =	sdelay $0x2  }
0x91: {  	s16 =	simm.s32 $0xB;
	s4 =	simm.s32 $0x10  }
0x92: {  	[smem:s4], [sflag:s16] =	dma.local [hbm:s2], $0x1  }
0x93: {  	_ =	swait.eq [sflag:s16], $0x1  }
0x94: {  	[sflag:s16] =	ssyncset.done $0x0  }
0x95: {  	[sflag:s16] =	ssyncadd.s32 $0xFFFFFFFF  }
0x96: {  	s17 =	sld [smem:$0x10];
	(tm) =	ssettm $0x1  }
0x97: {  	s18 =	sld [smem:$0x3FFB];
	_ =	sdelay $0x3  }
0x98: {  	_ =	strace s18  }
0x99: {  	s2 =	sld [smem:$0x3FFC];
	_ =	sdelay $0x3  }
0x9a: {  	_ =	strace s2  }
0x9b: {  	s2 =	sld [smem:$0x3FFD];
	_ =	sdelay $0x3  }
0x9c: {  	_ =	strace s2  }
0x9d: {  	_ =	strace $0x8FFFFFFF  }
0x9e: {  	s19 =	sld [smem:$0x3FDB];
	_ =	sdelay $0x1  }
0x9f: {  	s20 =	simm.s32 $_scs_section_size  }
0xa0: {  	s5 =	simm.s32 $_size__tile_overlayer_lowered;
	s6 =	simm.s32 $_tile_overlayer_lowered  }
0xa1: {  	s7 =	simm.s32 $0x1BFF;
	s21 =	sshll.u32 s6, $0x1;
	s4 =	sadd.s32 s20, s19  }
0xa2: {  	s22 =	simm.s32 $0x0;
	s5 =	sshll.u32 s5, $0x1;
	s6 =	sadd.s32 s21, s4  }
0xa3: {  	[timem:s22], [sflag:s7] =	dma.local [hbm:s6], s5  }
0xa4: {  	_ =	swait.ge [sflag:s7], s5  }
0xa5: {  	s5 =	ssub.s32 $0x0, s5;
	[sflag:s7] =	ssyncset.done $0x0  }
0xa6: {  	[sflag:s7] =	ssyncadd.s32 s5;
	_ =	sdelay $0x1  }
0xa7: {  	s23 =	simm.s32 $0x1B8B  }
0xa8: {  	_ =	swait.ge [sflag:s23], $0x1  }
0xa9: {  	[sflag:s23] =	ssyncset.done $0x0  }
0xaa: {  	[sflag:s23] =	ssyncadd.s32 $0xFFFFFFFF  }
0xab: {  	s5 =	sld [smem:$0x0]  }
0xac: {  	s6 =	sand.u32 $0xFFFFFFFE, s1  }
0xad: {  	p0 =	sne.s32 s1, s6  }
0xae: {  	s6 =	sshll.u32 @p0 s6, $0xE  }
0xaf: {  	s6 =	sadd.s32 @p0 $0x11B8D, s6;
	s7 =	sshll.u32 @p0 s5, $0x11  }
0xb0: {  	s6 =	sor.u32 @p0 s7, s6  }
0xb1: {  	[sflag:s6] =	ssyncadd.remote.s32 @p0 $0x1;
	_ =	sdelay $0x1  }
0xb2: {  	s6 =	simm.s32 @p0 $0x1B8D  }
0xb3: {  	_ =	swait.eq @p0 [sflag:s6], $0x1  }
0xb4: {  	[sflag:s6] =	ssyncadd.s32 @p0 $0xFFFFFFFF  }
0xb5: {  	s7 =	sshll.u32 @!p0 s1, $0xE  }
0xb6: {  	s7 =	sor.u32 @!p0 $0x4000, s7;
	s6 =	simm.s32 @!p0 $0x1B8D  }
0xb7: {  	s5 =	sshll.u32 @!p0 s5, $0x11;
	s7 =	sadd.s32 @!p0 $0x11B8D, s7;
	_ =	swait.eq @!p0 [sflag:s6], $0x1  }
0xb8: {  	s5 =	sor.u32 @!p0 s5, s7;
	[sflag:s6] =	ssyncadd.s32 @!p0 $0xFFFFFFFF  }
0xb9: {  	s25 =	simm.s32 $0x1B8E;
	s24 =	sld [smem:$0x3FFE];
	[sflag:s5] =	ssyncadd.remote.s32 @!p0 $0x1  }
0xba: {  	s26 =	simm.s32 $execute0_lowered;
	[smem:$0x3FD2] =	sst s25  }
0xbb: {  	s6 =	sshll.u32 s26, $0x1;
	_ =	strace $0x8000004F;
	[dreg:$0x1] =	wrdreg $0xFFFFFFFF  }
0xbc: {  	s28 =	simm.s32 $_size_execute0_lowered;
	s4 =	sadd.s32 s4, s6;
	[dreg:$0x0] =	wrdreg $0x0  }
0xbd: {  	s6 =	sshll.u32 s28, $0x1;
	[dreg:$0x2] =	wrdreg s4  }
0xbe: {  	[dreg:$0x3] =	wrdreg s6  }
0xbf: {  	[dreg:$0x4] =	wrdreg $0xC0  }
0xc0: {  	_ =	task [dreg:s22], $0x5FFFF  }
0xc1: {  	[dreg:$0x1] =	wrdreg $0xFFFFFFFF  }
0xc2: {  	[dreg:$0x0] =	wrdreg $0x60  }
0xc3: {  	[dreg:$0x2] =	wrdreg s24  }
0xc4: {  	[dreg:$0x3] =	wrdreg s17  }
0xc5: {  	[dreg:$0x4] =	wrdreg $0xA  }
0xc6: {  	_ =	task.clear_ibuf [dreg:s22], $0x5FFFF;
	_ =	strace $0x9000004F  }
0xc7: {  	s29 =	simm.s32 $0xA;
	_ =	strace $0x80000051  }
0xc8: {  	_ =	swait.ge [sflag:s29], $0x1  }
0xc9: {  	[sflag:s29] =	ssyncadd.s32 $0xFFFFFFFF  }
0xca: {  	_ =	strace $0x90000051  }
0xcb: {  	_ =	sfence  }
0xcc: {  	s30 =	sld [smem:$0x0];
	_ =	sdelay $0x2  }
0xcd: {  	s31 =	sshll.u32 s1, $0xD;
	s1 =	sshrl.u32 s1, $0x2  }
0xce: {  	s4 =	sand.u32 $0x4000, s31;
	s1 =	sadd.s32 s1, s30  }
0xcf: {  	s0 =	sor.u32 s4, s0;
	s1 =	sshll.u32 s1, $0x11  }
0xd0: {  	s0 =	sor.u32 s1, s0  }
0xd1: {  	s0 =	sadd.s32 $0x8F2B, s0  }
0xd2: {  	[sflag:s0] =	ssyncadd.remote.s32 $0x1  }
0xd3: {  	_ =	sfence.sel $0xFFFF  }
0xd4: {  	[dreg:$0x0] =	wrdreg $0xFFFFFFFF;
	(pc) =	sbr.abs _section_cstart, $3  }
0xd5: {  	[dreg:$0x1] =	wrdreg $0xFFFFFFFF  }
0xd6: {  	_ =	task.clear_ibuf [dreg:s22], $0x2FFFF;
	_ =	strace $0x9FFFFFFF  }
0xd7: {  	(tm) =	ssettm $0x7FFFFFFF  }
tec
execute0_lowered:
.L_overlay_start_1:
0x0: {  	(tag) =	ssettag $0x1  }
0x1: {  	s7 =	rddreg [dreg:$0x0]  }
0x2: {  	s2 =	rddreg [dreg:$0x1]  }
0x3: {  	s0 =	rddreg [dreg:$0x2]  }
0x4: {  	s1 =	srdreg.scid;
	_ =	strace $0x80000050;
	s4 =	simm.s32 $0x1  }
0x5: {  	s9 =	simm.s32 $0x3;
	s11 =	simm.s32 $0x0;
	s5 =	sshll.u32 s1, $0x4  }
.Ltmp0:
0x6: {  	s1 =	stileid.u32;
	s5 =	sand.u32 $0x10, s5;
	(pc) =	sbr.rel .LBB2_1-.Ltmp0, $4  }
0x7: {  	p0 =	por $0x0, $0x0;
	s3 =	sadd.s32 $0x4D6200, s7;
	s6 =	sor.u32 s1, s5  }
0x8: {  	[sflag:s4] =	ssyncpa.u1 $0x0;
	s5 =	simm.s32 $0x2;
	s6 =	sshll.u32 s6, $0x6  }
0x9: {  	s7 =	sadd.s32 $0xF6600, s7;
	[sflag:s5] =	ssyncpa.u1 $0x0;
	s8 =	sadd.s32 $0x40, s6  }
0xa: {  	vm0 =	vmmov $0xff;
	vm1 =	vcmask $0x3F20;
	[sflag:s9] =	ssyncpa.u1 $0x0;
	s10 =	smov.u32 s6;
	s9 =	simm.s32 $0x0  }
.LBB2_9:
0xb: {  	p1 =	slt.u32 s9, $0x2;
	s11 =	sadd.s32 $0x20, s10  }
0xc: {  	s13 =	smov.u32 s6;
	s9 =	sadd.s32 $0x1, s9;
	p2 =	slt.s32 s11, s8  }
0xd: {  	s13 =	smov.u32 @p2 s11;
	p2 =	sne.s32 s9, $0x4  }
.Ltmp1:
0xe: {  	_ = 	snop;
	(pc) =	sbr.rel @!p2 .LBB2_10-.Ltmp1, $4  }
0xf: {  	s12 =	simm.s32 @!p1 $0x3  }
0x10: {  	_ =	swait.ge @!p1 [sflag:s12], $0x8000  }
0x11: {  	p0 =	por !p0, !p0;
	[sflag:s12] =	ssyncset.done @!p1 $0x0  }
0x12: {  	s11 =	smov.u32 s10;
	s10 =	smov.u32 s13;
	[sflag:s12] =	ssyncadd.s32 @!p1 $0xFFFF8000  }
.LBB2_1:
0x13: {  	p1 =	sgt.u32 s9, $0x1  }
0x14: {  	s12 =	sshll.u32 @!p1 s9, $0x5;
	s13 =	sshrl.u32 @!p1 s10, $0x3  }
0x15: {  	s14 =	sand.u32 @!p1 $0x7, s10;
	s12 =	sxor.u32 @!p1 $0x20, s12;
	s13 =	sadd.s32 @!p1 s2, s13  }
0x16: {  	[tilespmem:s12], [sflag:$0x2] =	stream.linear.gather @!p1 [hbm4b:s13+s14], $0x20, $0x38;
	[tilespmem:$0x10040] =	vst v63  }
0x17: {  	p1 =	seq.s32 s9, $0x0  }
0x18: {  	p2 =	seq.s32 @!p1 s9, $0x3  }
0x19: {  	p1 =	por p1, p2  }
.Ltmp2:
0x1a: {  	_ = 	snop;
	(pc) =	sbr.rel @p1 .LBB2_9-.Ltmp2, $1  }
0x1b: {  	_ =	sdelay $0x3  }
0x1c: {  	s12 =	simm.s32 $0x1  }
0x1d: {  	_ =	swait.ge [sflag:s5], $0x20;
	s13 =	sand.u32 $0x1, s9;
	s12 =	simm.s32 @!p0 $0x0  }
0x1e: {  	s15 =	simm.s32 $0x0;
	p2 =	por $0x1, $0x1;
	s12 =	sshll.u32 s12, $0x11  }
0x1f: {  	[sflag:s5] =	ssyncset.done $0x0;
	s13 =	sshll.u32 s13, $0x5;
	s14 =	sshrl.u32 s12, $0x2  }
0x20: {  	[sflag:s5] =	ssyncadd.s32 $0xFFFFFFE0;
	s12 =	sor.u32 $0x40, s14;
	s14 =	sadd.s32 $0x40, s14  }
.LBB2_3:
0x21: {  	s16 =	sshll.u32 s15, $0x4  }
0x22: {  	s16 =	sand.u32 $0x3FFFFFF0, s16  }
0x23: {  	s16 =	sadd.s32 s16, s13  }
0x24: {  	v0 =	vld.msk [tilespmem:s16+$0x0 ss:$0x1], $0xffff;
	_ =	sdelay $0x4  }
0x25: {  	vm2 =	vgt.s32 v0, $0x0  }
0x26: {  	v0 =	vnsel vm2, $0x0, v0  }
0x27: {  	v0 =	vmin.u32 v0, $0x17FF  }
0x28: {  	v1 =	vshll.u32 v0, $0x7;
	v0 =	vshll.u32 v0, $0x4  }
0x29: {  	v1 =	vand.u32 $0xFFC00, v1;
	v0 =	vand.u32 $0x70, v0  }
0x2a: {  	v0 =	vor.u32 v0, v1  }
0x2b: {  	s31 =	sshll.u32 s15, $0x10  }
0x2c: {  	s15 =	sshra.s32 s31, $0x2  }
0x2d: {  	s15 =	sadd.s32 s15, s14  }
0x2e: {  	s17 =	sadd.s32 $0x0, s15  }
0x2f: {  	[tilespmem:s17], [sflag:$0x1] =	stream.indirect_vreg.gather [hbm:s3], $0x80, v0, vm0, $0x38;
	[tilespmem:$0x10040] =	vst v63  }
0x30: {  	p1 =	por p2, p2;
	s16 =	simm.s32 $0x1000;
	v1 =	vadd.s32 $0x80, v0;
	s17 =	sadd.s32 $0x2000, s17  }
.LBB2_4:
0x31: {  	[tilespmem:s17], [sflag:$0x1] =	stream.indirect_vreg.gather [hbm:s3], $0x80, v0, vm1, $0x38;
	[tilespmem:$0x10040] =	vst v63  }
0x32: {  	v0 =	vmov v1;
	s17 =	smov.u32 s16;
	p2 =	sne.s32 s16, $0x7000  }
.Ltmp3:
0x33: {  	s16 =	sadd.s32 $0x1000, s16;
	(pc) =	sbr.rel @p2 .LBB2_4-.Ltmp3, $4  }
0x34: {  	s17 =	sshra.s32 s17, $0x2  }
0x35: {  	s17 =	sadd.s32 s17, s15  }
0x36: {  	[tilespmem:s17], [sflag:$0x1] =	stream.indirect_vreg.gather [hbm:s3], $0x80, v1, vm0, $0x38;
	[tilespmem:$0x10040] =	vst v63  }
0x37: {  	s17 =	sadd.s32 $0x2000, s17;
	v1 =	vadd.s32 $0x80, v1  }
0x38: {  	_ = 	snop  }
.Ltmp4:
0x39: {  	_ = 	snop;
	(pc) =	sbr.rel @p1 .LBB2_3-.Ltmp4, $3  }
0x3a: {  	_ =	sdelay $0x1  }
0x3b: {  	[tilespmem:s17], [sflag:$0x1] =	stream.indirect_vreg.gather [hbm:s3], $0x80, v0, vm1, $0x38;
	[tilespmem:$0x10040] =	vst v63  }
0x3c: {  	s15 =	simm.s32 $0x1;
	p2 =	por $0x0, $0x0  }
0x3d: {  	s13 =	sshll.u32 s11, $0x7  }
0x3e: {  	s31 =	sshll.u32 s11, $0x4;
	s13 =	sand.u32 $0xFFFFFC00, s13  }
0x3f: {  	_ =	swait.ge [sflag:s4], $0x8000;
	s11 =	sand.u32 $0x70, s31;
	s13 =	sadd.s32 s13, s7  }
0x40: {  	s14 =	sadd.s32 $0x2000, s12;
	[sflag:s4] =	ssyncset.done $0x0;
	s11 =	sadd.s32 s11, s13  }
0x41: {  	[sflag:s4] =	ssyncadd.s32 $0xFFFF8000;
	s13 =	simm.s32 $0x400;
	s15 =	sadd.s32 $0x0, s11  }
.LBB2_7:
0x42: {  	[hbm:s15] =	stream.linear.scatter [tilespmem:s12], [sflag:$0x3], $0x2000, $0x38;
	[tilespmem:$0x10040] =	vst v63  }
0x43: {  	s15 =	smov.u32 s13;
	s12 =	smov.u32 s14;
	p1 =	sne.s32 s13, $0xC00  }
.Ltmp5:
0x44: {  	s13 =	sadd.s32 $0x400, s13;
	(pc) =	sbr.rel @p1 .LBB2_7-.Ltmp5, $2  }
0x45: {  	_ =	sdelay $0x2  }
0x46: {  	s14 =	sadd.s32 $0x2000, s14;
	s15 =	sadd.s32 s15, s11  }
.Ltmp6:
0x47: {  	(pc) =	sbr.rel .LBB2_9-.Ltmp6, $2  }
0x48: {  	_ =	sdelay $0x2  }
0x49: {  	[hbm:s15] =	stream.linear.scatter [tilespmem:s12], [sflag:$0x3], $0x2000, $0x38;
	[tilespmem:$0x10040] =	vst v63  }
.LBB2_10:
0x4a: {  	_ =	sfence.sel $0x180000  }
0x4b: {  	s2 =	simm.s32 $0x2;
	[bflag:$0x0] =	sbarrier.arrive $0xFFFF  }
0x4c: {  	s30 =	simm.s32 $0x3;
	[sflag:s2] =	ssyncpa.u1 $0x1  }
0x4d: {  	s31 =	simm.s32 $0x1;
	[sflag:s30] =	ssyncpa.u1 $0x1  }
0x4e: {  	[sflag:s31] =	ssyncpa.u1 $0x1  }
0x4f: {  	p0 =	sne.s32 s1, $0x0;
	_ =	strace $0x90000050  }
0x50: {  	s0 =	sadd.s32 @!p0 $0x100000, s0;
	[bflag:$0x2] =	sbarrier.arrive $0xFFFF  }
0x51: {  	[sflag:s0] =	ssyncadd.tile.s32 @!p0 $0x1;
	_ =	shalt  }
.Lfunc_end2:
_tile_overlayer_lowered:
.L_overlay_start_2:
0x52: {  	(tag) =	ssettag $0x2  }
0x53: {  	s0 =	rddreg [dreg:$0x0];
	s2 =	stileid.u32  }
0x54: {  	s1 =	rddreg [dreg:$0x1];
	p0 =	sne.s32 s2, $0x0  }
0x55: {  	s3 =	rddreg [dreg:$0x2];
	[bflag:$0x3] =	sbarrier.arrive $0xFFFF;
	s2 =	simm.s32 @!p0 $0x1C01  }
0x56: {  	[timem:s3], [sflag:s2] =	dma.local @!p0 [hbm:s0], s1  }
0x57: {  	s0 =	simm.s32 @!p0 $0x1  }
0x58: {  	_ =	swait.ge @!p0 [sflag:s0], s1  }
0x59: {  	s1 =	ssub.s32 @!p0 $0x0, s1;
	[sflag:s0] =	ssyncset.done @!p0 $0x0  }
0x5a: {  	[sflag:s0] =	ssyncadd.s32 @!p0 s1  }
0x5b: {  	[bflag:$0x3] =	sbarrier.arrive $0xFFFF  }
0x5c: {  	_ =	shalt  }

// kernel: gather_offload_async_start
scs
__scs_entry_jumppad:
0x0: {  	(pc) =	sbr.rel $0x88, $3  }
0x1: {  	(tag) =	ssettag $0x0;
	lr =	simm.s32 $0x1  }
0x2: {  	[smem:$0x3F86] =	sst lr;
	_ =	strace $0xD0000000  }
0x3: {  	_ = 	snop  }
0x4: {  	_ = 	snop  }
0x5: {  	_ = 	snop  }
0x6: {  	_ = 	snop  }
0x7: {  	_ = 	snop  }
__scs_overlays_trampoline_lowered:
0x8: {  	[smem:$0x3F95] =	sst s0  }
0x9: {  	[smem:$0x3F96] =	sst s1  }
0xa: {  	[smem:$0x3F97] =	sst s2  }
0xb: {  	[smem:$0x3F98] =	sst s3  }
0xc: {  	[smem:$0x3F99] =	sst s4  }
0xd: {  	[smem:$0x3F9A] =	sst s5  }
0xe: {  	[smem:$0x3F9B] =	sst s6  }
0xf: {  	[smem:$0x3F9C] =	sst s7  }
0x10: {  	[smem:$0x3F9D] =	sst s8  }
0x11: {  	[smem:$0x3F9E] =	sst s9;
	s0 =	simm.s32 @!p0 $0x0  }
0x12: {  	s1 =	sld [smem:$0x3F84];
	s0 =	simm.s32 @p0 $0x1  }
0x13: {  	[smem:$0x3F9F] =	sst s0;
	s0 =	simm.s32 @!p1 $0x0  }
0x14: {  	s2 =	sld [smem:$0x3F83];
	s0 =	simm.s32 @p1 $0x1  }
0x15: {  	[smem:$0x3FA0] =	sst s0;
	s0 =	simm.s32 @!p2 $0x0  }
0x16: {  	s3 =	sld [smem:$0x3FDB];
	s0 =	simm.s32 @p2 $0x1  }
0x17: {  	s4 =	simm.s32 $0x1BF5;
	[smem:$0x3FA2] =	sst s0  }
0x18: {  	s0 =	sld [smem:$0x3F85];
	_ =	swait.ge [sflag:s4], $0x0  }
0x19: {  	s7 =	sld [smem:$0x3F86]  }
0x1a: {  	s8 =	sadd.s32 $0xFFFFE003, lr  }
0x1b: {  	s9 =	sadd.s32 $0xFFFFFEF7, lr;
	s5 =	simm.s32 $0xFFFFFFFF;
	p2 =	slt.u32 s8, $0xFFFFF086  }
0x1c: {  	p1 =	slt.u32 s9, $0xF7A;
	s5 =	simm.s32 @!p2 $0x0  }
0x1d: {  	s5 =	simm.s32 @p1 $0x1;
	p0 =	seq.s32 s7, s2  }
0x1e: {  	s7 =	smul.u32 @!p0 $0xF7A, s2;
	p2 =	seq.s32 @!p0 s5, $0x0  }
0x1f: {  	s9 =	smul.u32 $0xF7A, s1;
	s8 =	simm.s32 @!p0 $0x1BF5;
	p2 =	por !p2, p0  }
0x20: {  	[sflag:s8] =	ssyncset.s32 @!p0 $0xFFFFF086;
	s6 =	sadd.s32 @!p0 s3, s7;
	s7 =	simm.s32 @!p0 $0x108  }
0x21: {  	s3 =	sadd.s32 s3, s9;
	s6 =	sadd.s32 @!p0 $0x88, s6;
	s7 =	simm.s32 @p2 $0x1082  }
0x22: {  	[simem:s7], [sflag:s8] =	dma.local @!p0 [hbm:s6], $0xF7A  }
0x23: {  	s9 =	sor.u32 $0xD0000000, s2;
	s6 =	simm.s32 $0x108;
	_ =	swait.ge @!p0 [sflag:s8], $0x0  }
0x24: {  	s3 =	sadd.s32 $0x88, s3;
	s6 =	simm.s32 @!p1 $0x1082;
	[sflag:s4] =	ssyncset.s32 $0xFFFFF086  }
0x25: {  	[simem:s6], [sflag:s4] =	dma.local [hbm:s3], $0xF7A  }
0x26: {  	[smem:$0x3F86] =	sst s1;
	(tag) =	ssettag s2;
	_ =	strace s9  }
0x27: {  	s1 =	sld [smem:$0x3F96]  }
0x28: {  	s2 =	sld [smem:$0x3F97]  }
0x29: {  	s4 =	sld [smem:$0x3F99]  }
0x2a: {  	p0 =	seq.s32 s5, $0x0;
	s5 =	sld [smem:$0x3F9A]  }
0x2b: {  	s6 =	sld [smem:$0x3F9B]  }
0x2c: {  	s7 =	sld [smem:$0x3F9C]  }
0x2d: {  	s3 =	simm.s32 $0x108;
	s8 =	sld [smem:$0x3F9D]  }
0x2e: {  	s3 =	simm.s32 @!p0 $0x1082;
	s9 =	sld [smem:$0x3F9E]  }
0x2f: {  	lr =	sadd.s32 s0, s3;
	s0 =	sld [smem:$0x3F95]  }
0x30: {  	s3 =	sld [smem:$0x3F98]  }
0x31: {  	[smem:$0x3FA1] =	sst s10  }
0x32: {  	s10 =	sld [smem:$0x3F9F];
	_ =	sdelay $0x3  }
0x33: {  	p0 =	seq.s32 s10, $0x1;
	s10 =	sld [smem:$0x3FA1];
	_ =	sdelay $0x3  }
0x34: {  	[smem:$0x3FA1] =	sst s10  }
0x35: {  	s10 =	sld [smem:$0x3FA0];
	_ =	sdelay $0x3  }
0x36: {  	p1 =	seq.s32 s10, $0x1;
	s10 =	sld [smem:$0x3FA1];
	_ =	sdelay $0x3  }
0x37: {  	[smem:$0x3FA1] =	sst s10  }
0x38: {  	s10 =	sld [smem:$0x3FA2]  }
0x39: {  	_ = 	snop;
	(pc) =	sbr.ind lr, $3  }
0x3a: {  	_ = 	snop  }
0x3b: {  	_ = 	snop  }
0x3c: {  	p2 =	seq.s32 s10, $0x1;
	s10 =	sld [smem:$0x3FA1]  }
0x3d: {  	_ =	shalt  }
0x3e: {  	_ =	shalt  }
0x3f: {  	_ =	shalt  }
0x40: {  	_ =	shalt  }
0x41: {  	_ =	shalt  }
0x42: {  	_ =	shalt  }
0x43: {  	_ =	shalt  }
0x44: {  	_ =	shalt  }
0x45: {  	_ =	shalt  }
0x46: {  	_ =	shalt  }
0x47: {  	_ =	shalt  }
0x48: {  	_ =	shalt  }
0x49: {  	_ =	shalt  }
0x4a: {  	_ =	shalt  }
0x4b: {  	_ =	shalt  }
0x4c: {  	_ =	shalt  }
0x4d: {  	_ =	shalt  }
0x4e: {  	_ =	shalt  }
0x4f: {  	_ =	shalt  }
0x50: {  	_ =	shalt  }
0x51: {  	_ =	shalt  }
0x52: {  	_ =	shalt  }
0x53: {  	_ =	shalt  }
0x54: {  	_ =	shalt  }
0x55: {  	_ =	shalt  }
0x56: {  	_ =	shalt  }
0x57: {  	_ =	shalt  }
0x58: {  	_ =	shalt  }
0x59: {  	_ =	shalt  }
0x5a: {  	_ =	shalt  }
0x5b: {  	_ =	shalt  }
0x5c: {  	_ =	shalt  }
0x5d: {  	_ =	shalt  }
0x5e: {  	_ =	shalt  }
0x5f: {  	_ =	shalt  }
0x60: {  	_ =	shalt  }
0x61: {  	_ =	shalt  }
0x62: {  	_ =	shalt  }
0x63: {  	_ =	shalt  }
0x64: {  	_ =	shalt  }
0x65: {  	_ =	shalt  }
0x66: {  	_ =	shalt  }
0x67: {  	_ =	shalt  }
0x68: {  	_ =	shalt  }
0x69: {  	_ =	shalt  }
0x6a: {  	_ =	shalt  }
0x6b: {  	_ =	shalt  }
0x6c: {  	_ =	shalt  }
0x6d: {  	_ =	shalt  }
0x6e: {  	_ =	shalt  }
0x6f: {  	_ =	shalt  }
0x70: {  	_ =	shalt  }
0x71: {  	_ =	shalt  }
0x72: {  	_ =	shalt  }
0x73: {  	_ =	shalt  }
0x74: {  	_ =	shalt  }
0x75: {  	_ =	shalt  }
0x76: {  	_ =	shalt  }
0x77: {  	_ =	shalt  }
0x78: {  	_ =	shalt  }
0x79: {  	_ =	shalt  }
0x7a: {  	_ =	shalt  }
0x7b: {  	_ =	shalt  }
0x7c: {  	_ =	shalt  }
0x7d: {  	_ =	shalt  }
0x7e: {  	_ =	shalt  }
0x7f: {  	_ =	shalt  }
0x80: {  	_ =	shalt  }
0x81: {  	_ =	shalt  }
0x82: {  	_ =	shalt  }
0x83: {  	_ =	shalt  }
0x84: {  	_ =	shalt  }
0x85: {  	_ =	shalt  }
0x86: {  	_ =	shalt  }
0x87: {  	_ =	shalt  }
.Lfunc_end0:
.L_simem_size_0:
called_computation_lowered:
.L_overlay_start_0:
0x88: {  	s2 =	sld [smem:$0x3FD9]  }
0x89: {  	s3 =	sld [smem:$0x3FFE];
	_ =	sdelay $0x1  }
0x8a: {  	s1 =	srdreg.scid  }
0x8b: {  	s0 =	sand.u32 $0x1, s1  }
0x8c: {  	s16 =	sshll.u32 s0, $0xA;
	s2 =	sadd.s32 s3, s2  }
0x8d: {  	s2 =	sadd.s32 s2, s16  }
0x8e: {  	[smem:$0x3FAD] =	sst s2  }
0x8f: {  	_ = 	snop  }
0x90: {  	(tm) =	ssettm $0x1  }
0x91: {  	s17 =	sld [smem:$0x3FFB];
	_ =	sdelay $0x3  }
0x92: {  	_ =	strace s17  }
0x93: {  	s2 =	sld [smem:$0x3FFC];
	_ =	sdelay $0x3  }
0x94: {  	_ =	strace s2  }
0x95: {  	s2 =	sld [smem:$0x3FFD];
	_ =	sdelay $0x3  }
0x96: {  	_ =	strace s2  }
0x97: {  	_ =	strace $0x8FFFFFFF  }
0x98: {  	s18 =	sld [smem:$0x3FDB];
	_ =	sdelay $0x1  }
0x99: {  	s19 =	simm.s32 $_scs_section_size  }
0x9a: {  	s4 =	simm.s32 $_size__tile_overlayer_lowered;
	s5 =	simm.s32 $_tile_overlayer_lowered  }
0x9b: {  	s22 =	simm.s32 $0x1BFF;
	s21 =	sshll.u32 s5, $0x1;
	s2 =	sadd.s32 s19, s18  }
0x9c: {  	s6 =	simm.s32 $0x0;
	s20 =	sshll.u32 s4, $0x1;
	s4 =	sadd.s32 s21, s2  }
0x9d: {  	[timem:s6], [sflag:s22] =	dma.local [hbm:s4], s20  }
0x9e: {  	_ =	swait.ge [sflag:s22], s20  }
0x9f: {  	s3 =	ssub.s32 $0x0, s20;
	[sflag:s22] =	ssyncset.done $0x0  }
0xa0: {  	[sflag:s22] =	ssyncadd.s32 s3;
	_ =	sdelay $0x1  }
0xa1: {  	s23 =	simm.s32 $0x1B8B  }
0xa2: {  	_ =	swait.ge [sflag:s23], $0x1  }
0xa3: {  	[sflag:s23] =	ssyncset.done $0x0  }
0xa4: {  	s25 =	simm.s32 $0x1B8E;
	s24 =	sld [smem:$0x3FFE];
	[sflag:s23] =	ssyncadd.s32 $0xFFFFFFFF  }
0xa5: {  	s26 =	simm.s32 $execute0_lowered;
	[smem:$0x3FD2] =	sst s25  }
0xa6: {  	s4 =	sshll.u32 s26, $0x1;
	_ =	strace $0x80000046;
	[dreg:$0x1] =	wrdreg $0xFFFFFFFF  }
0xa7: {  	s28 =	simm.s32 $_size_execute0_lowered;
	s2 =	sadd.s32 s2, s4;
	[dreg:$0x0] =	wrdreg $0x0  }
0xa8: {  	s4 =	sshll.u32 s28, $0x1;
	[dreg:$0x2] =	wrdreg s2  }
0xa9: {  	[dreg:$0x3] =	wrdreg s4  }
0xaa: {  	[dreg:$0x4] =	wrdreg $0xC0  }
0xab: {  	_ =	task [dreg:s6], $0x5FFFF  }
0xac: {  	[dreg:$0x1] =	wrdreg $0xFFFFFFFF  }
0xad: {  	[dreg:$0x0] =	wrdreg $0x60  }
0xae: {  	[dreg:$0x2] =	wrdreg s24  }
0xaf: {  	[dreg:$0x3] =	wrdreg $0x9  }
0xb0: {  	_ =	task.clear_ibuf [dreg:s6], $0x4FFFF;
	_ =	strace $0x90000046  }
0xb1: {  	s29 =	simm.s32 $0x9;
	_ =	strace $0x80000048  }
0xb2: {  	_ =	swait.ge [sflag:s29], $0x1  }
0xb3: {  	[sflag:s29] =	ssyncadd.s32 $0xFFFFFFFF  }
0xb4: {  	_ =	strace $0x90000048  }
0xb5: {  	_ =	sfence  }
0xb6: {  	s30 =	sld [smem:$0x0];
	_ =	sdelay $0x2  }
0xb7: {  	s31 =	sshll.u32 s1, $0xD;
	s1 =	sshrl.u32 s1, $0x2  }
0xb8: {  	s3 =	sand.u32 $0x4000, s31;
	s1 =	sadd.s32 s1, s30  }
0xb9: {  	s0 =	sor.u32 s3, s0;
	s1 =	sshll.u32 s1, $0x11  }
0xba: {  	s0 =	sor.u32 s1, s0  }
0xbb: {  	s0 =	sadd.s32 $0x8F2B, s0  }
0xbc: {  	[sflag:s0] =	ssyncadd.remote.s32 $0x1  }
0xbd: {  	_ =	sfence.sel $0xFFFF  }
0xbe: {  	[dreg:$0x0] =	wrdreg $0xFFFFFFFF;
	(pc) =	sbr.abs _section_cstart, $3  }
0xbf: {  	[dreg:$0x1] =	wrdreg $0xFFFFFFFF  }
0xc0: {  	_ =	task.clear_ibuf [dreg:s6], $0x2FFFF;
	_ =	strace $0x9FFFFFFF  }
0xc1: {  	(tm) =	ssettm $0x7FFFFFFF  }
tec
execute0_lowered:
.L_overlay_start_1:
0x0: {  	(tag) =	ssettag $0x1  }
0x1: {  	s7 =	rddreg [dreg:$0x0]  }
0x2: {  	s0 =	rddreg [dreg:$0x1];
	_ =	strace $0x80000047  }
0x3: {  	s1 =	srdreg.scid;
	s4 =	simm.s32 $0x1;
	s9 =	simm.s32 $0x3  }
0x4: {  	s11 =	simm.s32 $0x0;
	p0 =	por $0x0, $0x0;
	s5 =	sshll.u32 s1, $0x4  }
.Ltmp0:
0x5: {  	s1 =	stileid.u32;
	s5 =	sand.u32 $0x10, s5;
	(pc) =	sbr.rel .LBB2_1-.Ltmp0, $4  }
0x6: {  	s2 =	sadd.s32 $0xD6200, s7;
	s3 =	sadd.s32 $0xB6400, s7;
	s6 =	sor.u32 s1, s5  }
0x7: {  	[sflag:s4] =	ssyncpa.u1 $0x0;
	s5 =	simm.s32 $0x2;
	s6 =	sshll.u32 s6, $0x6  }
0x8: {  	s7 =	sadd.s32 $0x4D6200, s7;
	[sflag:s5] =	ssyncpa.u1 $0x0;
	s8 =	sadd.s32 $0x40, s6  }
0x9: {  	vm0 =	vmmov $0xff;
	vm1 =	vcmask $0x3F20;
	[sflag:s9] =	ssyncpa.u1 $0x0;
	s10 =	smov.u32 s6;
	s9 =	simm.s32 $0x0  }
.LBB2_9:
0xa: {  	p1 =	slt.u32 s9, $0x2;
	s11 =	sadd.s32 $0x20, s10  }
0xb: {  	s13 =	smov.u32 s6;
	s9 =	sadd.s32 $0x1, s9;
	p2 =	slt.s32 s11, s8  }
0xc: {  	s13 =	smov.u32 @p2 s11;
	p2 =	sne.s32 s9, $0x4  }
.Ltmp1:
0xd: {  	_ = 	snop;
	(pc) =	sbr.rel @!p2 .LBB2_10-.Ltmp1, $4  }
0xe: {  	s12 =	simm.s32 @!p1 $0x3  }
0xf: {  	_ =	swait.ge @!p1 [sflag:s12], $0x8000  }
0x10: {  	p0 =	por !p0, !p0;
	[sflag:s12] =	ssyncset.done @!p1 $0x0  }
0x11: {  	s11 =	smov.u32 s10;
	s10 =	smov.u32 s13;
	[sflag:s12] =	ssyncadd.s32 @!p1 $0xFFFF8000  }
.LBB2_1:
0x12: {  	p1 =	sgt.u32 s9, $0x1  }
0x13: {  	s12 =	sshll.u32 @!p1 s9, $0x5;
	s13 =	sshrl.u32 @!p1 s10, $0x3  }
0x14: {  	s14 =	sand.u32 @!p1 $0x7, s10;
	s12 =	sxor.u32 @!p1 $0x20, s12;
	s13 =	sadd.s32 @!p1 s3, s13  }
0x15: {  	[tilespmem:s12], [sflag:$0x2] =	stream.linear.gather @!p1 [hbm4b:s13+s14], $0x20, $0x38;
	[tilespmem:$0x10040] =	vst v63  }
0x16: {  	p1 =	seq.s32 s9, $0x0  }
0x17: {  	p2 =	seq.s32 @!p1 s9, $0x3  }
0x18: {  	p1 =	por p1, p2  }
.Ltmp2:
0x19: {  	_ = 	snop;
	(pc) =	sbr.rel @p1 .LBB2_9-.Ltmp2, $1  }
0x1a: {  	_ =	sdelay $0x3  }
0x1b: {  	s12 =	simm.s32 $0x1  }
0x1c: {  	_ =	swait.ge [sflag:s5], $0x20;
	s13 =	sand.u32 $0x1, s9;
	s12 =	simm.s32 @!p0 $0x0  }
0x1d: {  	s15 =	simm.s32 $0x0;
	p2 =	por $0x1, $0x1;
	s12 =	sshll.u32 s12, $0x11  }
0x1e: {  	[sflag:s5] =	ssyncset.done $0x0;
	s13 =	sshll.u32 s13, $0x5;
	s14 =	sshrl.u32 s12, $0x2  }
0x1f: {  	[sflag:s5] =	ssyncadd.s32 $0xFFFFFFE0;
	s12 =	sor.u32 $0x40, s14;
	s14 =	sadd.s32 $0x40, s14  }
.LBB2_3:
0x20: {  	s16 =	sshll.u32 s15, $0x4  }
0x21: {  	s16 =	sand.u32 $0x3FFFFFF0, s16  }
0x22: {  	s16 =	sadd.s32 s16, s13  }
0x23: {  	v0 =	vld.msk [tilespmem:s16+$0x0 ss:$0x1], $0xffff;
	_ =	sdelay $0x4  }
0x24: {  	vm2 =	vgt.s32 v0, $0x0  }
0x25: {  	v0 =	vnsel vm2, $0x0, v0  }
0x26: {  	v0 =	vmin.u32 v0, $0x17FF  }
0x27: {  	v1 =	vshll.u32 v0, $0x7;
	v0 =	vshll.u32 v0, $0x4  }
0x28: {  	v1 =	vand.u32 $0xFFC00, v1;
	v0 =	vand.u32 $0x70, v0  }
0x29: {  	v0 =	vor.u32 v0, v1  }
0x2a: {  	s31 =	sshll.u32 s15, $0x10  }
0x2b: {  	s15 =	sshra.s32 s31, $0x2  }
0x2c: {  	s15 =	sadd.s32 s15, s14  }
0x2d: {  	s17 =	sadd.s32 $0x0, s15  }
0x2e: {  	[tilespmem:s17], [sflag:$0x1] =	stream.indirect_vreg.gather [hbm:s2], $0x80, v0, vm0, $0x38;
	[tilespmem:$0x10040] =	vst v63  }
0x2f: {  	p1 =	por p2, p2;
	s16 =	simm.s32 $0x1000;
	v1 =	vadd.s32 $0x80, v0;
	s17 =	sadd.s32 $0x2000, s17  }
.LBB2_4:
0x30: {  	[tilespmem:s17], [sflag:$0x1] =	stream.indirect_vreg.gather [hbm:s2], $0x80, v0, vm1, $0x38;
	[tilespmem:$0x10040] =	vst v63  }
0x31: {  	v0 =	vmov v1;
	s17 =	smov.u32 s16;
	p2 =	sne.s32 s16, $0x7000  }
.Ltmp3:
0x32: {  	s16 =	sadd.s32 $0x1000, s16;
	(pc) =	sbr.rel @p2 .LBB2_4-.Ltmp3, $4  }
0x33: {  	s17 =	sshra.s32 s17, $0x2  }
0x34: {  	s17 =	sadd.s32 s17, s15  }
0x35: {  	[tilespmem:s17], [sflag:$0x1] =	stream.indirect_vreg.gather [hbm:s2], $0x80, v1, vm0, $0x38;
	[tilespmem:$0x10040] =	vst v63  }
0x36: {  	s17 =	sadd.s32 $0x2000, s17;
	v1 =	vadd.s32 $0x80, v1  }
0x37: {  	_ = 	snop  }
.Ltmp4:
0x38: {  	_ = 	snop;
	(pc) =	sbr.rel @p1 .LBB2_3-.Ltmp4, $3  }
0x39: {  	_ =	sdelay $0x1  }
0x3a: {  	[tilespmem:s17], [sflag:$0x1] =	stream.indirect_vreg.gather [hbm:s2], $0x80, v0, vm1, $0x38;
	[tilespmem:$0x10040] =	vst v63  }
0x3b: {  	s15 =	simm.s32 $0x1;
	p2 =	por $0x0, $0x0  }
0x3c: {  	s13 =	sshll.u32 s11, $0x7  }
0x3d: {  	s31 =	sshll.u32 s11, $0x4;
	s13 =	sand.u32 $0xFFFFFC00, s13  }
0x3e: {  	_ =	swait.ge [sflag:s4], $0x8000;
	s11 =	sand.u32 $0x70, s31;
	s13 =	sadd.s32 s13, s7  }
0x3f: {  	s14 =	sadd.s32 $0x2000, s12;
	[sflag:s4] =	ssyncset.done $0x0;
	s11 =	sadd.s32 s11, s13  }
0x40: {  	[sflag:s4] =	ssyncadd.s32 $0xFFFF8000;
	s13 =	simm.s32 $0x400;
	s15 =	sadd.s32 $0x0, s11  }
.LBB2_7:
0x41: {  	[hbm:s15] =	stream.linear.scatter [tilespmem:s12], [sflag:$0x3], $0x2000, $0x38;
	[tilespmem:$0x10040] =	vst v63  }
0x42: {  	s15 =	smov.u32 s13;
	s12 =	smov.u32 s14;
	p1 =	sne.s32 s13, $0xC00  }
.Ltmp5:
0x43: {  	s13 =	sadd.s32 $0x400, s13;
	(pc) =	sbr.rel @p1 .LBB2_7-.Ltmp5, $2  }
0x44: {  	_ =	sdelay $0x2  }
0x45: {  	s14 =	sadd.s32 $0x2000, s14;
	s15 =	sadd.s32 s15, s11  }
.Ltmp6:
0x46: {  	(pc) =	sbr.rel .LBB2_9-.Ltmp6, $2  }
0x47: {  	_ =	sdelay $0x2  }
0x48: {  	[hbm:s15] =	stream.linear.scatter [tilespmem:s12], [sflag:$0x3], $0x2000, $0x38;
	[tilespmem:$0x10040] =	vst v63  }
.LBB2_10:
0x49: {  	_ =	sfence.sel $0x180000  }
0x4a: {  	s2 =	simm.s32 $0x2;
	[bflag:$0x0] =	sbarrier.arrive $0xFFFF  }
0x4b: {  	s30 =	simm.s32 $0x3;
	[sflag:s2] =	ssyncpa.u1 $0x1  }
0x4c: {  	s31 =	simm.s32 $0x1;
	[sflag:s30] =	ssyncpa.u1 $0x1  }
0x4d: {  	[sflag:s31] =	ssyncpa.u1 $0x1  }
0x4e: {  	p0 =	sne.s32 s1, $0x0;
	_ =	strace $0x90000047  }
0x4f: {  	s0 =	sadd.s32 @!p0 $0x100000, s0;
	[bflag:$0x2] =	sbarrier.arrive $0xFFFF  }
0x50: {  	[sflag:s0] =	ssyncadd.tile.s32 @!p0 $0x1;
	_ =	shalt  }
.Lfunc_end2:
_tile_overlayer_lowered:
.L_overlay_start_2:
0x51: {  	(tag) =	ssettag $0x2  }
0x52: {  	s0 =	rddreg [dreg:$0x0];
	s2 =	stileid.u32  }
0x53: {  	s1 =	rddreg [dreg:$0x1];
	p0 =	sne.s32 s2, $0x0  }
0x54: {  	s3 =	rddreg [dreg:$0x2];
	[bflag:$0x3] =	sbarrier.arrive $0xFFFF;
	s2 =	simm.s32 @!p0 $0x1C01  }
0x55: {  	[timem:s3], [sflag:s2] =	dma.local @!p0 [hbm:s0], s1  }
0x56: {  	s0 =	simm.s32 @!p0 $0x1  }
0x57: {  	_ =	swait.ge @!p0 [sflag:s0], s1  }
0x58: {  	s1 =	ssub.s32 @!p0 $0x0, s1;
	[sflag:s0] =	ssyncset.done @!p0 $0x0  }
0x59: {  	[sflag:s0] =	ssyncadd.s32 @!p0 s1  }
0x5a: {  	[bflag:$0x3] =	sbarrier.arrive $0xFFFF  }
0x5b: {  	_ =	shalt  }

</sc_bundles>
